<compile_context>
chip_gen: v7x
topology: tpu7x:2x2x1
jax: 0.10.2.dev20260603
libtpu: 0.0.44.dev20260713+nightly
codegen_flags: <defaults>
</compile_context>

<pallas_src>
import jax
import jax.numpy as jnp
from jax import lax
from jax.experimental import pallas as pl
from jax.experimental.pallas import tpu as pltpu
from jax.experimental.pallas import tpu_sc as plsc

N_IDENT = 10000
N_SYM = 10000
N_AST = 100000
N_OCC = 320000
D = 128

NC, NS = 2, 16
NW = NC * NS
CHUNK = 80
OCC_W = 10240
NCHUNK = OCC_W // CHUNK
OCC_RW = N_OCC // NW
SYM_W = 320
SYM_PAD = NW * SYM_W
SYM_CHUNKS = SYM_W // CHUNK
SEG_PAD = 10240
ROWS_T = SEG_PAD // NS
NCP = ROWS_T // CHUNK


def _sc_gather_segsum(ident_tab, sym_idx, ast_tab, occ_idx):
  mesh = plsc.VectorSubcoreMesh(
      core_axis_name="c", subcore_axis_name="s", num_cores=NC, num_subcores=NS)

  def body(ident_hbm, sym_hbm, ast_hbm, oidx_hbm, a_out, b_out,
           symv, cidx, rows_a, rows_b, acc, sem_a, sem_b, sem_i):
    c = lax.axis_index("c")
    s = lax.axis_index("s")
    wid = s * NC + c

    pltpu.sync_copy(sym_hbm.at[wid], symv)

    bufs = ((rows_a, sem_a), (rows_b, sem_b))
    for k in range(SYM_CHUNKS):
      buf, sem = bufs[k % 2]
      if k < 2:
        pltpu.async_copy(ident_hbm.at[symv.at[k]], buf, sem)
      pltpu.make_async_copy(ident_hbm.at[symv.at[k]], buf, sem).wait()
      pltpu.sync_copy(buf, a_out.at[wid, pl.ds(k * CHUNK, CHUNK)])
      if k + 2 < SYM_CHUNKS:
        pltpu.async_copy(ident_hbm.at[symv.at[k + 2]], buf, sem)

    zero = jnp.zeros((16,), jnp.float32)

    @pl.loop(0, CHUNK)
    def _zero_rows(i):
      for j in range(D // 16):
        rows_a[i, pl.ds(j * 16, 16)] = zero

    for m in range(NCP):
      pltpu.sync_copy(rows_a, acc.at[pl.ds(s * ROWS_T + m * CHUNK, CHUNK)])

    def stage_idx(j, slot, sync=False):
      if sync:
        pltpu.sync_copy(oidx_hbm.at[wid, j], cidx.at[slot])
      else:
        pltpu.async_copy(oidx_hbm.at[wid, j], cidx.at[slot], sem_i)

    def wait_stage(j, slot):
      pltpu.make_async_copy(oidx_hbm.at[wid, j], cidx.at[slot], sem_i).wait()

    def start_gather(slot, buf, sem):
      pltpu.async_copy(ast_hbm.at[cidx.at[slot, 0]], buf, sem)

    def wait_gather(slot, buf, sem):
      pltpu.make_async_copy(ast_hbm.at[cidx.at[slot, 0]], buf, sem).wait()

    stage_idx(0, 0, sync=True)
    stage_idx(1, 1, sync=True)
    stage_idx(2, 2)
    stage_idx(3, 3)
    start_gather(0, rows_a, sem_a)
    start_gather(1, rows_b, sem_b)
    plsc.subcore_barrier()

    @pl.loop(0, NCHUNK, step=4)
    def _quad(j):
      for u in range(4):
        slot = u
        buf, sem = bufs[u % 2]
        wait_gather(slot, buf, sem)
        pltpu.sync_copy(buf, acc.at[cidx.at[slot, 1]], add=True)

        @pl.when(j + u + 4 < NCHUNK)
        def _():
          stage_idx(j + u + 4, slot)

        @pl.when(j + u + 2 < NCHUNK)
        def _():
          wait_stage(j + u + 2, (u + 2) % 4)
          start_gather((u + 2) % 4, buf, sem)

    plsc.subcore_barrier()

    for m in range(NCP):
      r0 = s * ROWS_T + m * CHUNK
      pltpu.sync_copy(acc.at[pl.ds(r0, CHUNK)], rows_a)
      pltpu.sync_copy(rows_a, b_out.at[c, pl.ds(r0, CHUNK)])

  f = pl.kernel(
      body,
      out_type=(
          jax.ShapeDtypeStruct((NW, SYM_W, D), jnp.float32),
          jax.ShapeDtypeStruct((NC, SEG_PAD, D), jnp.float32),
      ),
      mesh=mesh,
      scratch_types=(
          pltpu.VMEM((SYM_CHUNKS, CHUNK), jnp.int32),
          pltpu.VMEM((4, 2, CHUNK), jnp.int32),
          pltpu.VMEM((CHUNK, D), jnp.float32),
          pltpu.VMEM((CHUNK, D), jnp.float32),
          pltpu.VMEM_SHARED((SEG_PAD, D), jnp.float32),
          pltpu.SemaphoreType.DMA,
          pltpu.SemaphoreType.DMA,
          pltpu.SemaphoreType.DMA,
      ),
  )
  return f(ident_tab, sym_idx, ast_tab, occ_idx)


BLK = 1000


def _tc_combine(a, b_partial, w1, w2):
  def body(a_ref, b_ref, w1_ref, w2_ref, o_ref):
    acc = jnp.dot(a_ref[...], w1_ref[...],
                  preferred_element_type=jnp.float32,
                  precision=lax.Precision.HIGHEST)
    acc = acc + jnp.dot(b_ref[0] + b_ref[1], w2_ref[...],
                        preferred_element_type=jnp.float32,
                        precision=lax.Precision.HIGHEST)
    o_ref[...] = jnp.maximum(acc, 0.0)

  return pl.pallas_call(
      body,
      grid=(N_SYM // BLK,),
      in_specs=[
          pl.BlockSpec((BLK, D), lambda i: (i, 0)),
          pl.BlockSpec((NC, BLK, D), lambda i: (0, i, 0)),
          pl.BlockSpec((D, D), lambda i: (0, 0)),
          pl.BlockSpec((D, D), lambda i: (0, 0)),
      ],
      out_specs=pl.BlockSpec((BLK, D), lambda i: (i, 0)),
      out_shape=jax.ShapeDtypeStruct((N_SYM, D), jnp.float32),
  )(a, b_partial, w1, w2)


def kernel(encoded_identifiers, symbols_identifier_indices, encoded_ast_nodes,
           ast_nodes_with_symbol_leaf_nodes_indices,
           ast_nodes_with_symbol_leaf_symbol_idx, W):
  sym_idx = symbols_identifier_indices.astype(jnp.int32)
  sym_idx = jnp.concatenate(
      [sym_idx, jnp.zeros((SYM_PAD - N_SYM,), jnp.int32)]
  ).reshape(NW, SYM_CHUNKS, CHUNK)

  node_idx = ast_nodes_with_symbol_leaf_nodes_indices.astype(jnp.int32)
  node_idx = node_idx.reshape(NW, OCC_RW)
  seg_idx = ast_nodes_with_symbol_leaf_symbol_idx.astype(jnp.int32)
  seg_idx = seg_idx.reshape(NW, OCC_RW)
  npad = OCC_W - OCC_RW
  node_idx = jnp.concatenate(
      [node_idx, jnp.zeros((NW, npad), jnp.int32)], axis=1)
  dummy = N_SYM + jnp.arange(NW, dtype=jnp.int32)[:, None]
  seg_idx = jnp.concatenate(
      [seg_idx, jnp.broadcast_to(dummy, (NW, npad))], axis=1)
  node_idx = node_idx.reshape(NW, CHUNK, NCHUNK).transpose(0, 2, 1)
  seg_idx = seg_idx.reshape(NW, CHUNK, NCHUNK).transpose(0, 2, 1)
  occ_idx = jnp.stack([node_idx, seg_idx], axis=2)

  a_gath, b_partial = _sc_gather_segsum(
      encoded_identifiers, sym_idx, encoded_ast_nodes, occ_idx)
  a = a_gath.reshape(SYM_PAD, D)[:N_SYM]
  return _tc_combine(a, b_partial[:, :N_SYM], W[:D], W[D:])

# --- scband reference (transcript-rebuilt; emitter-appended) ---
"""Pipeline reference for scband-symbols-encoder-6210522710683 (READ-ONLY COPY).

The authoritative reference and input builder live on the scoring server;
editing this copy changes nothing except your own understanding.
"""

import jax, jax.numpy as jnp
import numpy as np

N_IDENT = 10000
N_SYM = 10000
N_AST = 100000
N_OCC = 320000
D = 128

def setup_inputs(seed: int = 0) -> dict:
    key = jax.random.key(seed)
    k1, k2, k3, k4, k5, k6 = jax.random.split(key, 6)
    encoded_identifiers = jax.random.normal(k1, (N_IDENT, D), dtype=jnp.float32)
    symbols_identifier_indices = jax.random.randint(k2, (N_SYM,), 0, N_IDENT, dtype=jnp.int64 if jax.config.jax_enable_x64 else jnp.int32)
    encoded_ast_nodes = jax.random.normal(k3, (N_AST, D), dtype=jnp.float32)
    ast_nodes_with_symbol_leaf_nodes_indices = jax.random.randint(k4, (N_OCC,), 0, N_AST, dtype=jnp.int32)
    ast_nodes_with_symbol_leaf_symbol_idx = jnp.sort(jax.random.randint(k5, (N_OCC,), 0, N_SYM, dtype=jnp.int32))
    # combiner linear: in_features = expression_encoding_dim + identifier_embedding_dim = 2*D, out = D, no bias
    W = jax.random.normal(k6, (2 * D, D), dtype=jnp.float32) * (1.0 / np.sqrt(2 * D))
    return {
        'encoded_identifiers': encoded_identifiers,
        'symbols_identifier_indices': symbols_identifier_indices,
        'encoded_ast_nodes': encoded_ast_nodes,
        'ast_nodes_with_symbol_leaf_nodes_indices': ast_nodes_with_symbol_leaf_nodes_indices,
        'ast_nodes_with_symbol_leaf_symbol_idx': ast_nodes_with_symbol_leaf_symbol_idx,
        'W': W,
    }

def reference(encoded_identifiers, symbols_identifier_indices, encoded_ast_nodes,
              ast_nodes_with_symbol_leaf_nodes_indices, ast_nodes_with_symbol_leaf_symbol_idx, W):
    # symbols_identifiers_encodings = encoded_identifiers[symbols.symbols_identifier_indices.indices]
    symbols_identifiers_encodings = jnp.take(encoded_identifiers, symbols_identifier_indices, axis=0)
    # AST path: gather encodings of symbol occurrences from encoded ast nodes
    encodings_of_symbols_occurrences = jnp.take(encoded_ast_nodes, ast_nodes_with_symbol_leaf_nodes_indices, axis=0)
    nr_symbols = symbols_identifier_indices.shape[0]
    # ScatterCombiner with combining_method='sum' -> scatter-add (segment sum) over symbol indices
    symbols_occurrences_encodings = jax.ops.segment_sum(
        encodings_of_symbols_occurrences, ast_nodes_with_symbol_leaf_symbol_idx, num_segments=nr_symbols)
    final = jnp.concatenate([symbols_identifiers_encodings, symbols_occurrences_encodings], axis=-1)
    final = final @ W  # Linear, bias=False
    final = jax.nn.relu(final)
    # dropout_rate=0.0 -> identity
    return final

if __name__ == "__main__":
    import jax
    _d = setup_inputs()
    print(jax.jit(kernel)(*tuple(_d.values())))

</pallas_src>

<mosaic_0001>
#map = affine_map<(d0, d1) -> (0, 0)>
#map1 = affine_map<(d0, d1) -> (0, 0, 0)>
#map2 = affine_map<(d0, d1) -> (0, 0, 0, 0)>
module attributes {stable_mosaic.version = 14 : i64} {
  func.func @body(%arg0: i32, %arg1: i32, %arg2: memref<10000x128xf32, #tpu.memory_space<hbm>>, %arg3: memref<32x4x80xi32, #tpu.memory_space<hbm>>, %arg4: memref<100000x128xf32, #tpu.memory_space<hbm>>, %arg5: memref<32x128x2x80xi32, #tpu.memory_space<hbm>>, %arg6: memref<32x320x128xf32, #tpu.memory_space<hbm>>, %arg7: memref<2x10240x128xf32, #tpu.memory_space<hbm>>, %arg8: memref<4x80xi32, #tpu.memory_space<vmem>>, %arg9: memref<4x2x80xi32, #tpu.memory_space<vmem>>, %arg10: memref<80x128xf32, #tpu.memory_space<vmem>>, %arg11: memref<80x128xf32, #tpu.memory_space<vmem>>, %arg12: memref<10240x128xf32, #tpu.memory_space<vmem_shared>>, %arg13: memref<!tpu.dma_semaphore, #tpu.memory_space<semaphore_mem>>, %arg14: memref<!tpu.dma_semaphore, #tpu.memory_space<semaphore_mem>>, %arg15: memref<!tpu.dma_semaphore, #tpu.memory_space<semaphore_mem>>) attributes {dimension_semantics = [#tpu.dimension_semantics<core_parallel>, #tpu.dimension_semantics<subcore_parallel>], iteration_bounds = array<i64: 2, 16>, scalar_prefetch = 0 : i64, scratch_operands = 8 : i64, tpu.core_type = #tpu.core_type<sc_vector_subcore>, window_params = [{transform_indices = #map}, {transform_indices = #map1}, {transform_indices = #map}, {transform_indices = #map2}, {transform_indices = #map1}, {transform_indices = #map1}]} {
    %mul3A = arith.constant 2 : i32
    %mul3A_0 = arith.muli %arg1, %mul3A : i32
    %add3A = arith.addi %mul3A_0, %arg0 : i32
    "tpu.region"() ({
      %run_scoped3A_185 = tpu.sem_alloc : memref<!tpu.dma_semaphore, #tpu.memory_space<semaphore_mem>>
      %dma_start3A_186 = arith.constant 0 : i32
      %dma_start3A_187 = arith.constant 0 : i32
      %dma_start3A_188 = tpu.memref_slice %arg3[%add3A, %dma_start3A_186, %dma_start3A_187] : memref<32x4x80xi32, #tpu.memory_space<hbm>> -> memref<1x4x80xi32, #tpu.memory_space<hbm>>
      %dma_start3A_189 = tpu.memref_squeeze %dma_start3A_188 : memref<1x4x80xi32, #tpu.memory_space<hbm>> -> memref<4x80xi32, #tpu.memory_space<hbm>>
      %dma_start3A_190 = arith.constant 0 : i32
      %dma_start3A_191 = arith.constant 0 : i32
      %dma_start3A_192 = tpu.memref_slice %arg3[%add3A, %dma_start3A_190, %dma_start3A_191] : memref<32x4x80xi32, #tpu.memory_space<hbm>> -> memref<1x4x80xi32, #tpu.memory_space<hbm>>
      %dma_start3A_193 = tpu.memref_squeeze %dma_start3A_192 : memref<1x4x80xi32, #tpu.memory_space<hbm>> -> memref<4x80xi32, #tpu.memory_space<hbm>>
      tpu.enqueue_dma source(%dma_start3A_193 : memref<4x80xi32, #tpu.memory_space<hbm>>) target(%arg8 : memref<4x80xi32, #tpu.memory_space<vmem>>) target_semaphore(%run_scoped3A_185 : memref<!tpu.dma_semaphore, #tpu.memory_space<semaphore_mem>>)
      %dma_wait3A_194 = arith.constant 0 : i32
      %dma_wait3A_195 = arith.constant 0 : i32
      %dma_wait3A_196 = tpu.memref_slice %arg3[%add3A, %dma_wait3A_194, %dma_wait3A_195] : memref<32x4x80xi32, #tpu.memory_space<hbm>> -> memref<1x4x80xi32, #tpu.memory_space<hbm>>
      %dma_wait3A_197 = tpu.memref_squeeze %dma_wait3A_196 : memref<1x4x80xi32, #tpu.memory_space<hbm>> -> memref<4x80xi32, #tpu.memory_space<hbm>>
      %dma_wait3A_198 = arith.constant 0 : i32
      %dma_wait3A_199 = arith.constant 0 : i32
      %dma_wait3A_200 = tpu.memref_slice %arg3[%add3A, %dma_wait3A_198, %dma_wait3A_199] : memref<32x4x80xi32, #tpu.memory_space<hbm>> -> memref<1x4x80xi32, #tpu.memory_space<hbm>>
      %dma_wait3A_201 = tpu.memref_squeeze %dma_wait3A_200 : memref<1x4x80xi32, #tpu.memory_space<hbm>> -> memref<4x80xi32, #tpu.memory_space<hbm>>
      tpu.wait_dma2 semaphore(%run_scoped3A_185 : memref<!tpu.dma_semaphore, #tpu.memory_space<semaphore_mem>>) src(%dma_wait3A_201 : memref<4x80xi32, #tpu.memory_space<hbm>>) dst(%arg8 : memref<4x80xi32, #tpu.memory_space<vmem>>)
      tpu.yield
    }) : () -> ()
    %dma_start3A = arith.constant 0 : i32
    %dma_start3A_1 = arith.constant 0 : i32
    %dma_start3A_2 = tpu.memref_slice %arg8[%dma_start3A, %dma_start3A_1] : memref<4x80xi32, #tpu.memory_space<vmem>> -> memref<1x80xi32, #tpu.memory_space<vmem>>
    %dma_start3A_3 = tpu.memref_squeeze %dma_start3A_2 : memref<1x80xi32, #tpu.memory_space<vmem>> -> memref<80xi32, #tpu.memory_space<vmem>>
    %dma_start3A_4 = arith.constant 0 : i32
    %dma_start3A_5 = arith.constant 0 : i32
    %dma_start3A_6 = tpu.memref_slice %arg2[%dma_start3A_4, %dma_start3A_5] : memref<10000x128xf32, #tpu.memory_space<hbm>> -> memref<10000x128xf32, #tpu.memory_space<hbm>>
    tpu.enqueue_indirect_dma source(%dma_start3A_6 : memref<10000x128xf32, #tpu.memory_space<hbm>>) target(%arg10 : memref<80x128xf32, #tpu.memory_space<vmem>>) offsets(%dma_start3A_3 : memref<80xi32, #tpu.memory_space<vmem>>) semaphore(%arg13 : memref<!tpu.dma_semaphore, #tpu.memory_space<semaphore_mem>>)
    %dma_wait3A = arith.constant 0 : i32
    %dma_wait3A_7 = arith.constant 0 : i32
    %dma_wait3A_8 = tpu.memref_slice %arg8[%dma_wait3A, %dma_wait3A_7] : memref<4x80xi32, #tpu.memory_space<vmem>> -> memref<1x80xi32, #tpu.memory_space<vmem>>
    %dma_wait3A_9 = tpu.memref_squeeze %dma_wait3A_8 : memref<1x80xi32, #tpu.memory_space<vmem>> -> memref<80xi32, #tpu.memory_space<vmem>>
    %dma_wait3A_10 = arith.constant 0 : i32
    %dma_wait3A_11 = arith.constant 0 : i32
    %dma_wait3A_12 = tpu.memref_slice %arg2[%dma_wait3A_10, %dma_wait3A_11] : memref<10000x128xf32, #tpu.memory_space<hbm>> -> memref<10000x128xf32, #tpu.memory_space<hbm>>
    tpu.wait_indirect_dma semaphore(%arg13 : memref<!tpu.dma_semaphore, #tpu.memory_space<semaphore_mem>>) src(%dma_wait3A_12 : memref<10000x128xf32, #tpu.memory_space<hbm>>) dst(%arg10 : memref<80x128xf32, #tpu.memory_space<vmem>>)
    "tpu.region"() ({
      %run_scoped3A_185 = tpu.sem_alloc : memref<!tpu.dma_semaphore, #tpu.memory_space<semaphore_mem>>
      %dma_start3A_186 = arith.constant 0 : i32
      %dma_start3A_187 = arith.constant 0 : i32
      %dma_start3A_188 = tpu.memref_slice %arg6[%add3A, %dma_start3A_186, %dma_start3A_187] : memref<32x320x128xf32, #tpu.memory_space<hbm>> -> memref<1x80x128xf32, #tpu.memory_space<hbm>>
      %dma_start3A_189 = tpu.memref_squeeze %dma_start3A_188 : memref<1x80x128xf32, #tpu.memory_space<hbm>> -> memref<80x128xf32, #tpu.memory_space<hbm>>
      %dma_start3A_190 = arith.constant 0 : i32
      %dma_start3A_191 = arith.constant 0 : i32
      %dma_start3A_192 = tpu.memref_slice %arg6[%add3A, %dma_start3A_190, %dma_start3A_191] : memref<32x320x128xf32, #tpu.memory_space<hbm>> -> memref<1x80x128xf32, #tpu.memory_space<hbm>>
      %dma_start3A_193 = tpu.memref_squeeze %dma_start3A_192 : memref<1x80x128xf32, #tpu.memory_space<hbm>> -> memref<80x128xf32, #tpu.memory_space<hbm>>
      tpu.enqueue_dma source(%arg10 : memref<80x128xf32, #tpu.memory_space<vmem>>) target(%dma_start3A_193 : memref<80x128xf32, #tpu.memory_space<hbm>>) target_semaphore(%run_scoped3A_185 : memref<!tpu.dma_semaphore, #tpu.memory_space<semaphore_mem>>)
      %dma_wait3A_194 = arith.constant 0 : i32
      %dma_wait3A_195 = arith.constant 0 : i32
      %dma_wait3A_196 = tpu.memref_slice %arg6[%add3A, %dma_wait3A_194, %dma_wait3A_195] : memref<32x320x128xf32, #tpu.memory_space<hbm>> -> memref<1x80x128xf32, #tpu.memory_space<hbm>>
      %dma_wait3A_197 = tpu.memref_squeeze %dma_wait3A_196 : memref<1x80x128xf32, #tpu.memory_space<hbm>> -> memref<80x128xf32, #tpu.memory_space<hbm>>
      %dma_wait3A_198 = arith.constant 0 : i32
      %dma_wait3A_199 = arith.constant 0 : i32
      %dma_wait3A_200 = tpu.memref_slice %arg6[%add3A, %dma_wait3A_198, %dma_wait3A_199] : memref<32x320x128xf32, #tpu.memory_space<hbm>> -> memref<1x80x128xf32, #tpu.memory_space<hbm>>
      %dma_wait3A_201 = tpu.memref_squeeze %dma_wait3A_200 : memref<1x80x128xf32, #tpu.memory_space<hbm>> -> memref<80x128xf32, #tpu.memory_space<hbm>>
      tpu.wait_dma2 semaphore(%run_scoped3A_185 : memref<!tpu.dma_semaphore, #tpu.memory_space<semaphore_mem>>) src(%arg10 : memref<80x128xf32, #tpu.memory_space<vmem>>) dst(%dma_wait3A_201 : memref<80x128xf32, #tpu.memory_space<hbm>>)
      tpu.yield
    }) : () -> ()
    %dma_start3A_13 = arith.constant 2 : i32
    %dma_start3A_14 = arith.constant 0 : i32
    %dma_start3A_15 = tpu.memref_slice %arg8[%dma_start3A_13, %dma_start3A_14] : memref<4x80xi32, #tpu.memory_space<vmem>> -> memref<1x80xi32, #tpu.memory_space<vmem>>
    %dma_start3A_16 = tpu.memref_squeeze %dma_start3A_15 : memref<1x80xi32, #tpu.memory_space<vmem>> -> memref<80xi32, #tpu.memory_space<vmem>>
    %dma_start3A_17 = arith.constant 0 : i32
    %dma_start3A_18 = arith.constant 0 : i32
    %dma_start3A_19 = tpu.memref_slice %arg2[%dma_start3A_17, %dma_start3A_18] : memref<10000x128xf32, #tpu.memory_space<hbm>> -> memref<10000x128xf32, #tpu.memory_space<hbm>>
    tpu.enqueue_indirect_dma source(%dma_start3A_19 : memref<10000x128xf32, #tpu.memory_space<hbm>>) target(%arg10 : memref<80x128xf32, #tpu.memory_space<vmem>>) offsets(%dma_start3A_16 : memref<80xi32, #tpu.memory_space<vmem>>) semaphore(%arg13 : memref<!tpu.dma_semaphore, #tpu.memory_space<semaphore_mem>>)
    %dma_start3A_20 = arith.constant 1 : i32
    %dma_start3A_21 = arith.constant 0 : i32
    %dma_start3A_22 = tpu.memref_slice %arg8[%dma_start3A_20, %dma_start3A_21] : memref<4x80xi32, #tpu.memory_space<vmem>> -> memref<1x80xi32, #tpu.memory_space<vmem>>
    %dma_start3A_23 = tpu.memref_squeeze %dma_start3A_22 : memref<1x80xi32, #tpu.memory_space<vmem>> -> memref<80xi32, #tpu.memory_space<vmem>>
    %dma_start3A_24 = arith.constant 0 : i32
    %dma_start3A_25 = arith.constant 0 : i32
    %dma_start3A_26 = tpu.memref_slice %arg2[%dma_start3A_24, %dma_start3A_25] : memref<10000x128xf32, #tpu.memory_space<hbm>> -> memref<10000x128xf32, #tpu.memory_space<hbm>>
    tpu.enqueue_indirect_dma source(%dma_start3A_26 : memref<10000x128xf32, #tpu.memory_space<hbm>>) target(%arg11 : memref<80x128xf32, #tpu.memory_space<vmem>>) offsets(%dma_start3A_23 : memref<80xi32, #tpu.memory_space<vmem>>) semaphore(%arg14 : memref<!tpu.dma_semaphore, #tpu.memory_space<semaphore_mem>>)
    %dma_wait3A_27 = arith.constant 1 : i32
    %dma_wait3A_28 = arith.constant 0 : i32
    %dma_wait3A_29 = tpu.memref_slice %arg8[%dma_wait3A_27, %dma_wait3A_28] : memref<4x80xi32, #tpu.memory_space<vmem>> -> memref<1x80xi32, #tpu.memory_space<vmem>>
    %dma_wait3A_30 = tpu.memref_squeeze %dma_wait3A_29 : memref<1x80xi32, #tpu.memory_space<vmem>> -> memref<80xi32, #tpu.memory_space<vmem>>
    %dma_wait3A_31 = arith.constant 0 : i32
    %dma_wait3A_32 = arith.constant 0 : i32
    %dma_wait3A_33 = tpu.memref_slice %arg2[%dma_wait3A_31, %dma_wait3A_32] : memref<10000x128xf32, #tpu.memory_space<hbm>> -> memref<10000x128xf32, #tpu.memory_space<hbm>>
    tpu.wait_indirect_dma semaphore(%arg14 : memref<!tpu.dma_semaphore, #tpu.memory_space<semaphore_mem>>) src(%dma_wait3A_33 : memref<10000x128xf32, #tpu.memory_space<hbm>>) dst(%arg11 : memref<80x128xf32, #tpu.memory_space<vmem>>)
    "tpu.region"() ({
      %run_scoped3A_185 = tpu.sem_alloc : memref<!tpu.dma_semaphore, #tpu.memory_space<semaphore_mem>>
      %dma_start3A_186 = arith.constant 80 : i32
      %dma_start3A_187 = arith.constant 0 : i32
      %dma_start3A_188 = tpu.memref_slice %arg6[%add3A, %dma_start3A_186, %dma_start3A_187] : memref<32x320x128xf32, #tpu.memory_space<hbm>> -> memref<1x80x128xf32, #tpu.memory_space<hbm>>
      %dma_start3A_189 = tpu.memref_squeeze %dma_start3A_188 : memref<1x80x128xf32, #tpu.memory_space<hbm>> -> memref<80x128xf32, #tpu.memory_space<hbm>>
      %dma_start3A_190 = arith.constant 80 : i32
      %dma_start3A_191 = arith.constant 0 : i32
      %dma_start3A_192 = tpu.memref_slice %arg6[%add3A, %dma_start3A_190, %dma_start3A_191] : memref<32x320x128xf32, #tpu.memory_space<hbm>> -> memref<1x80x128xf32, #tpu.memory_space<hbm>>
      %dma_start3A_193 = tpu.memref_squeeze %dma_start3A_192 : memref<1x80x128xf32, #tpu.memory_space<hbm>> -> memref<80x128xf32, #tpu.memory_space<hbm>>
      tpu.enqueue_dma source(%arg11 : memref<80x128xf32, #tpu.memory_space<vmem>>) target(%dma_start3A_193 : memref<80x128xf32, #tpu.memory_space<hbm>>) target_semaphore(%run_scoped3A_185 : memref<!tpu.dma_semaphore, #tpu.memory_space<semaphore_mem>>)
      %dma_wait3A_194 = arith.constant 80 : i32
      %dma_wait3A_195 = arith.constant 0 : i32
      %dma_wait3A_196 = tpu.memref_slice %arg6[%add3A, %dma_wait3A_194, %dma_wait3A_195] : memref<32x320x128xf32, #tpu.memory_space<hbm>> -> memref<1x80x128xf32, #tpu.memory_space<hbm>>
      %dma_wait3A_197 = tpu.memref_squeeze %dma_wait3A_196 : memref<1x80x128xf32, #tpu.memory_space<hbm>> -> memref<80x128xf32, #tpu.memory_space<hbm>>
      %dma_wait3A_198 = arith.constant 80 : i32
      %dma_wait3A_199 = arith.constant 0 : i32
      %dma_wait3A_200 = tpu.memref_slice %arg6[%add3A, %dma_wait3A_198, %dma_wait3A_199] : memref<32x320x128xf32, #tpu.memory_space<hbm>> -> memref<1x80x128xf32, #tpu.memory_space<hbm>>
      %dma_wait3A_201 = tpu.memref_squeeze %dma_wait3A_200 : memref<1x80x128xf32, #tpu.memory_space<hbm>> -> memref<80x128xf32, #tpu.memory_space<hbm>>
      tpu.wait_dma2 semaphore(%run_scoped3A_185 : memref<!tpu.dma_semaphore, #tpu.memory_space<semaphore_mem>>) src(%arg11 : memref<80x128xf32, #tpu.memory_space<vmem>>) dst(%dma_wait3A_201 : memref<80x128xf32, #tpu.memory_space<hbm>>)
      tpu.yield
    }) : () -> ()
    %dma_start3A_34 = arith.constant 3 : i32
    %dma_start3A_35 = arith.constant 0 : i32
    %dma_start3A_36 = tpu.memref_slice %arg8[%dma_start3A_34, %dma_start3A_35] : memref<4x80xi32, #tpu.memory_space<vmem>> -> memref<1x80xi32, #tpu.memory_space<vmem>>
    %dma_start3A_37 = tpu.memref_squeeze %dma_start3A_36 : memref<1x80xi32, #tpu.memory_space<vmem>> -> memref<80xi32, #tpu.memory_space<vmem>>
    %dma_start3A_38 = arith.constant 0 : i32
    %dma_start3A_39 = arith.constant 0 : i32
    %dma_start3A_40 = tpu.memref_slice %arg2[%dma_start3A_38, %dma_start3A_39] : memref<10000x128xf32, #tpu.memory_space<hbm>> -> memref<10000x128xf32, #tpu.memory_space<hbm>>
    tpu.enqueue_indirect_dma source(%dma_start3A_40 : memref<10000x128xf32, #tpu.memory_space<hbm>>) target(%arg11 : memref<80x128xf32, #tpu.memory_space<vmem>>) offsets(%dma_start3A_37 : memref<80xi32, #tpu.memory_space<vmem>>) semaphore(%arg14 : memref<!tpu.dma_semaphore, #tpu.memory_space<semaphore_mem>>)
    %dma_wait3A_41 = arith.constant 2 : i32
    %dma_wait3A_42 = arith.constant 0 : i32
    %dma_wait3A_43 = tpu.memref_slice %arg8[%dma_wait3A_41, %dma_wait3A_42] : memref<4x80xi32, #tpu.memory_space<vmem>> -> memref<1x80xi32, #tpu.memory_space<vmem>>
    %dma_wait3A_44 = tpu.memref_squeeze %dma_wait3A_43 : memref<1x80xi32, #tpu.memory_space<vmem>> -> memref<80xi32, #tpu.memory_space<vmem>>
    %dma_wait3A_45 = arith.constant 0 : i32
    %dma_wait3A_46 = arith.constant 0 : i32
    %dma_wait3A_47 = tpu.memref_slice %arg2[%dma_wait3A_45, %dma_wait3A_46] : memref<10000x128xf32, #tpu.memory_space<hbm>> -> memref<10000x128xf32, #tpu.memory_space<hbm>>
    tpu.wait_indirect_dma semaphore(%arg13 : memref<!tpu.dma_semaphore, #tpu.memory_space<semaphore_mem>>) src(%dma_wait3A_47 : memref<10000x128xf32, #tpu.memory_space<hbm>>) dst(%arg10 : memref<80x128xf32, #tpu.memory_space<vmem>>)
    "tpu.region"() ({
      %run_scoped3A_185 = tpu.sem_alloc : memref<!tpu.dma_semaphore, #tpu.memory_space<semaphore_mem>>
      %dma_start3A_186 = arith.constant 160 : i32
      %dma_start3A_187 = arith.constant 0 : i32
      %dma_start3A_188 = tpu.memref_slice %arg6[%add3A, %dma_start3A_186, %dma_start3A_187] : memref<32x320x128xf32, #tpu.memory_space<hbm>> -> memref<1x80x128xf32, #tpu.memory_space<hbm>>
      %dma_start3A_189 = tpu.memref_squeeze %dma_start3A_188 : memref<1x80x128xf32, #tpu.memory_space<hbm>> -> memref<80x128xf32, #tpu.memory_space<hbm>>
      %dma_start3A_190 = arith.constant 160 : i32
      %dma_start3A_191 = arith.constant 0 : i32
      %dma_start3A_192 = tpu.memref_slice %arg6[%add3A, %dma_start3A_190, %dma_start3A_191] : memref<32x320x128xf32, #tpu.memory_space<hbm>> -> memref<1x80x128xf32, #tpu.memory_space<hbm>>
      %dma_start3A_193 = tpu.memref_squeeze %dma_start3A_192 : memref<1x80x128xf32, #tpu.memory_space<hbm>> -> memref<80x128xf32, #tpu.memory_space<hbm>>
      tpu.enqueue_dma source(%arg10 : memref<80x128xf32, #tpu.memory_space<vmem>>) target(%dma_start3A_193 : memref<80x128xf32, #tpu.memory_space<hbm>>) target_semaphore(%run_scoped3A_185 : memref<!tpu.dma_semaphore, #tpu.memory_space<semaphore_mem>>)
      %dma_wait3A_194 = arith.constant 160 : i32
      %dma_wait3A_195 = arith.constant 0 : i32
      %dma_wait3A_196 = tpu.memref_slice %arg6[%add3A, %dma_wait3A_194, %dma_wait3A_195] : memref<32x320x128xf32, #tpu.memory_space<hbm>> -> memref<1x80x128xf32, #tpu.memory_space<hbm>>
      %dma_wait3A_197 = tpu.memref_squeeze %dma_wait3A_196 : memref<1x80x128xf32, #tpu.memory_space<hbm>> -> memref<80x128xf32, #tpu.memory_space<hbm>>
      %dma_wait3A_198 = arith.constant 160 : i32
      %dma_wait3A_199 = arith.constant 0 : i32
      %dma_wait3A_200 = tpu.memref_slice %arg6[%add3A, %dma_wait3A_198, %dma_wait3A_199] : memref<32x320x128xf32, #tpu.memory_space<hbm>> -> memref<1x80x128xf32, #tpu.memory_space<hbm>>
      %dma_wait3A_201 = tpu.memref_squeeze %dma_wait3A_200 : memref<1x80x128xf32, #tpu.memory_space<hbm>> -> memref<80x128xf32, #tpu.memory_space<hbm>>
      tpu.wait_dma2 semaphore(%run_scoped3A_185 : memref<!tpu.dma_semaphore, #tpu.memory_space<semaphore_mem>>) src(%arg10 : memref<80x128xf32, #tpu.memory_space<vmem>>) dst(%dma_wait3A_201 : memref<80x128xf32, #tpu.memory_space<hbm>>)
      tpu.yield
    }) : () -> ()
    %dma_wait3A_48 = arith.constant 3 : i32
    %dma_wait3A_49 = arith.constant 0 : i32
    %dma_wait3A_50 = tpu.memref_slice %arg8[%dma_wait3A_48, %dma_wait3A_49] : memref<4x80xi32, #tpu.memory_space<vmem>> -> memref<1x80xi32, #tpu.memory_space<vmem>>
    %dma_wait3A_51 = tpu.memref_squeeze %dma_wait3A_50 : memref<1x80xi32, #tpu.memory_space<vmem>> -> memref<80xi32, #tpu.memory_space<vmem>>
    %dma_wait3A_52 = arith.constant 0 : i32
    %dma_wait3A_53 = arith.constant 0 : i32
    %dma_wait3A_54 = tpu.memref_slice %arg2[%dma_wait3A_52, %dma_wait3A_53] : memref<10000x128xf32, #tpu.memory_space<hbm>> -> memref<10000x128xf32, #tpu.memory_space<hbm>>
    tpu.wait_indirect_dma semaphore(%arg14 : memref<!tpu.dma_semaphore, #tpu.memory_space<semaphore_mem>>) src(%dma_wait3A_54 : memref<10000x128xf32, #tpu.memory_space<hbm>>) dst(%arg11 : memref<80x128xf32, #tpu.memory_space<vmem>>)
    "tpu.region"() ({
      %run_scoped3A_185 = tpu.sem_alloc : memref<!tpu.dma_semaphore, #tpu.memory_space<semaphore_mem>>
      %dma_start3A_186 = arith.constant 240 : i32
      %dma_start3A_187 = arith.constant 0 : i32
      %dma_start3A_188 = tpu.memref_slice %arg6[%add3A, %dma_start3A_186, %dma_start3A_187] : memref<32x320x128xf32, #tpu.memory_space<hbm>> -> memref<1x80x128xf32, #tpu.memory_space<hbm>>
      %dma_start3A_189 = tpu.memref_squeeze %dma_start3A_188 : memref<1x80x128xf32, #tpu.memory_space<hbm>> -> memref<80x128xf32, #tpu.memory_space<hbm>>
      %dma_start3A_190 = arith.constant 240 : i32
      %dma_start3A_191 = arith.constant 0 : i32
      %dma_start3A_192 = tpu.memref_slice %arg6[%add3A, %dma_start3A_190, %dma_start3A_191] : memref<32x320x128xf32, #tpu.memory_space<hbm>> -> memref<1x80x128xf32, #tpu.memory_space<hbm>>
      %dma_start3A_193 = tpu.memref_squeeze %dma_start3A_192 : memref<1x80x128xf32, #tpu.memory_space<hbm>> -> memref<80x128xf32, #tpu.memory_space<hbm>>
      tpu.enqueue_dma source(%arg11 : memref<80x128xf32, #tpu.memory_space<vmem>>) target(%dma_start3A_193 : memref<80x128xf32, #tpu.memory_space<hbm>>) target_semaphore(%run_scoped3A_185 : memref<!tpu.dma_semaphore, #tpu.memory_space<semaphore_mem>>)
      %dma_wait3A_194 = arith.constant 240 : i32
      %dma_wait3A_195 = arith.constant 0 : i32
      %dma_wait3A_196 = tpu.memref_slice %arg6[%add3A, %dma_wait3A_194, %dma_wait3A_195] : memref<32x320x128xf32, #tpu.memory_space<hbm>> -> memref<1x80x128xf32, #tpu.memory_space<hbm>>
      %dma_wait3A_197 = tpu.memref_squeeze %dma_wait3A_196 : memref<1x80x128xf32, #tpu.memory_space<hbm>> -> memref<80x128xf32, #tpu.memory_space<hbm>>
      %dma_wait3A_198 = arith.constant 240 : i32
      %dma_wait3A_199 = arith.constant 0 : i32
      %dma_wait3A_200 = tpu.memref_slice %arg6[%add3A, %dma_wait3A_198, %dma_wait3A_199] : memref<32x320x128xf32, #tpu.memory_space<hbm>> -> memref<1x80x128xf32, #tpu.memory_space<hbm>>
      %dma_wait3A_201 = tpu.memref_squeeze %dma_wait3A_200 : memref<1x80x128xf32, #tpu.memory_space<hbm>> -> memref<80x128xf32, #tpu.memory_space<hbm>>
      tpu.wait_dma2 semaphore(%run_scoped3A_185 : memref<!tpu.dma_semaphore, #tpu.memory_space<semaphore_mem>>) src(%arg11 : memref<80x128xf32, #tpu.memory_space<vmem>>) dst(%dma_wait3A_201 : memref<80x128xf32, #tpu.memory_space<hbm>>)
      tpu.yield
    }) : () -> ()
    %broadcast_in_dim3A = arith.constant 0.000000e+00 : f32
    %broadcast_in_dim3A_55 = vector.broadcast %broadcast_in_dim3A : f32 to vector<16xf32>
    %scan3A = arith.constant 0 : i32
    %scan3A_56 = arith.constant 80 : i32
    %scan3A_57 = arith.addi %scan3A, %scan3A_56 : i32
    %scan3A_58 = arith.constant 1 : i32
    scf.for %scan3A_185 = %scan3A to %scan3A_57 step %scan3A_58  : i32 {
      %mul3A_186 = arith.constant 1 : i32
      %mul3A_187 = arith.muli %scan3A_185, %mul3A_186 : i32
      %add3A_188 = arith.constant 0 : i32
      %add3A_189 = arith.addi %add3A_188, %mul3A_187 : i32
      %swap3A = arith.index_cast %add3A_189 : i32 to index
      %swap3A_190 = arith.constant 0 : index
      %swap3A_191 = tpu.vector_load %arg10[%swap3A, %swap3A_190] {strides = array<i32>} : memref<80x128xf32, #tpu.memory_space<vmem>>, vector<1x16xf32>,
      %swap3A_192 = vector.shape_cast %swap3A_191 : vector<1x16xf32> to vector<16xf32>
      %swap3A_193 = vector.shape_cast %broadcast_in_dim3A_55 : vector<16xf32> to vector<1x16xf32>
      tpu.vector_store %arg10[%swap3A, %swap3A_190], %swap3A_193 {strides = array<i32>} : memref<80x128xf32, #tpu.memory_space<vmem>>, vector<1x16xf32>,
      %swap3A_194 = arith.index_cast %add3A_189 : i32 to index
      %swap3A_195 = arith.constant 16 : index
      %swap3A_196 = tpu.vector_load %arg10[%swap3A_194, %swap3A_195] {strides = array<i32>} : memref<80x128xf32, #tpu.memory_space<vmem>>, vector<1x16xf32>,
      %swap3A_197 = vector.shape_cast %swap3A_196 : vector<1x16xf32> to vector<16xf32>
      %swap3A_198 = vector.shape_cast %broadcast_in_dim3A_55 : vector<16xf32> to vector<1x16xf32>
      tpu.vector_store %arg10[%swap3A_194, %swap3A_195], %swap3A_198 {strides = array<i32>} : memref<80x128xf32, #tpu.memory_space<vmem>>, vector<1x16xf32>,
      %swap3A_199 = arith.index_cast %add3A_189 : i32 to index
      %swap3A_200 = arith.constant 32 : index
      %swap3A_201 = tpu.vector_load %arg10[%swap3A_199, %swap3A_200] {strides = array<i32>} : memref<80x128xf32, #tpu.memory_space<vmem>>, vector<1x16xf32>,
      %swap3A_202 = vector.shape_cast %swap3A_201 : vector<1x16xf32> to vector<16xf32>
      %swap3A_203 = vector.shape_cast %broadcast_in_dim3A_55 : vector<16xf32> to vector<1x16xf32>
      tpu.vector_store %arg10[%swap3A_199, %swap3A_200], %swap3A_203 {strides = array<i32>} : memref<80x128xf32, #tpu.memory_space<vmem>>, vector<1x16xf32>,
      %swap3A_204 = arith.index_cast %add3A_189 : i32 to index
      %swap3A_205 = arith.constant 48 : index
      %swap3A_206 = tpu.vector_load %arg10[%swap3A_204, %swap3A_205] {strides = array<i32>} : memref<80x128xf32, #tpu.memory_space<vmem>>, vector<1x16xf32>,
      %swap3A_207 = vector.shape_cast %swap3A_206 : vector<1x16xf32> to vector<16xf32>
      %swap3A_208 = vector.shape_cast %broadcast_in_dim3A_55 : vector<16xf32> to vector<1x16xf32>
      tpu.vector_store %arg10[%swap3A_204, %swap3A_205], %swap3A_208 {strides = array<i32>} : memref<80x128xf32, #tpu.memory_space<vmem>>, vector<1x16xf32>,
      %swap3A_209 = arith.index_cast %add3A_189 : i32 to index
      %swap3A_210 = arith.constant 64 : index
      %swap3A_211 = tpu.vector_load %arg10[%swap3A_209, %swap3A_210] {strides = array<i32>} : memref<80x128xf32, #tpu.memory_space<vmem>>, vector<1x16xf32>,
      %swap3A_212 = vector.shape_cast %swap3A_211 : vector<1x16xf32> to vector<16xf32>
      %swap3A_213 = vector.shape_cast %broadcast_in_dim3A_55 : vector<16xf32> to vector<1x16xf32>
      tpu.vector_store %arg10[%swap3A_209, %swap3A_210], %swap3A_213 {strides = array<i32>} : memref<80x128xf32, #tpu.memory_space<vmem>>, vector<1x16xf32>,
      %swap3A_214 = arith.index_cast %add3A_189 : i32 to index
      %swap3A_215 = arith.constant 80 : index
      %swap3A_216 = tpu.vector_load %arg10[%swap3A_214, %swap3A_215] {strides = array<i32>} : memref<80x128xf32, #tpu.memory_space<vmem>>, vector<1x16xf32>,
      %swap3A_217 = vector.shape_cast %swap3A_216 : vector<1x16xf32> to vector<16xf32>
      %swap3A_218 = vector.shape_cast %broadcast_in_dim3A_55 : vector<16xf32> to vector<1x16xf32>
      tpu.vector_store %arg10[%swap3A_214, %swap3A_215], %swap3A_218 {strides = array<i32>} : memref<80x128xf32, #tpu.memory_space<vmem>>, vector<1x16xf32>,
      %swap3A_219 = arith.index_cast %add3A_189 : i32 to index
      %swap3A_220 = arith.constant 96 : index
      %swap3A_221 = tpu.vector_load %arg10[%swap3A_219, %swap3A_220] {strides = array<i32>} : memref<80x128xf32, #tpu.memory_space<vmem>>, vector<1x16xf32>,
      %swap3A_222 = vector.shape_cast %swap3A_221 : vector<1x16xf32> to vector<16xf32>
      %swap3A_223 = vector.shape_cast %broadcast_in_dim3A_55 : vector<16xf32> to vector<1x16xf32>
      tpu.vector_store %arg10[%swap3A_219, %swap3A_220], %swap3A_223 {strides = array<i32>} : memref<80x128xf32, #tpu.memory_space<vmem>>, vector<1x16xf32>,
      %swap3A_224 = arith.index_cast %add3A_189 : i32 to index
      %swap3A_225 = arith.constant 112 : index
      %swap3A_226 = tpu.vector_load %arg10[%swap3A_224, %swap3A_225] {strides = array<i32>} : memref<80x128xf32, #tpu.memory_space<vmem>>, vector<1x16xf32>,
      %swap3A_227 = vector.shape_cast %swap3A_226 : vector<1x16xf32> to vector<16xf32>
      %swap3A_228 = vector.shape_cast %broadcast_in_dim3A_55 : vector<16xf32> to vector<1x16xf32>
      tpu.vector_store %arg10[%swap3A_224, %swap3A_225], %swap3A_228 {strides = array<i32>} : memref<80x128xf32, #tpu.memory_space<vmem>>, vector<1x16xf32>,
    }
    %scan3A_59 = arith.constant 80 : i32
    %mul3A_60 = arith.constant 640 : i32
    %mul3A_61 = arith.muli %arg1, %mul3A_60 : i32
    %add3A_62 = arith.constant 0 : i32
    %add3A_63 = arith.addi %mul3A_61, %add3A_62 : i32
    "tpu.region"() ({
      %run_scoped3A_185 = tpu.sem_alloc : memref<!tpu.dma_semaphore, #tpu.memory_space<semaphore_mem>>
      %dma_start3A_186 = arith.constant 0 : i32
      %dma_start3A_187 = tpu.memref_slice %arg12[%add3A_63, %dma_start3A_186] : memref<10240x128xf32, #tpu.memory_space<vmem_shared>> -> memref<80x128xf32, #tpu.memory_space<vmem_shared>>
      %dma_start3A_188 = arith.constant 0 : i32
      %dma_start3A_189 = tpu.memref_slice %arg12[%add3A_63, %dma_start3A_188] : memref<10240x128xf32, #tpu.memory_space<vmem_shared>> -> memref<80x128xf32, #tpu.memory_space<vmem_shared>>
      tpu.enqueue_dma source(%arg10 : memref<80x128xf32, #tpu.memory_space<vmem>>) target(%dma_start3A_189 : memref<80x128xf32, #tpu.memory_space<vmem_shared>>) target_semaphore(%run_scoped3A_185 : memref<!tpu.dma_semaphore, #tpu.memory_space<semaphore_mem>>)
      %dma_wait3A_190 = arith.constant 0 : i32
      %dma_wait3A_191 = tpu.memref_slice %arg12[%add3A_63, %dma_wait3A_190] : memref<10240x128xf32, #tpu.memory_space<vmem_shared>> -> memref<80x128xf32, #tpu.memory_space<vmem_shared>>
      %dma_wait3A_192 = arith.constant 0 : i32
      %dma_wait3A_193 = tpu.memref_slice %arg12[%add3A_63, %dma_wait3A_192] : memref<10240x128xf32, #tpu.memory_space<vmem_shared>> -> memref<80x128xf32, #tpu.memory_space<vmem_shared>>
      tpu.wait_dma2 semaphore(%run_scoped3A_185 : memref<!tpu.dma_semaphore, #tpu.memory_space<semaphore_mem>>) src(%arg10 : memref<80x128xf32, #tpu.memory_space<vmem>>) dst(%dma_wait3A_193 : memref<80x128xf32, #tpu.memory_space<vmem_shared>>)
      tpu.yield
    }) : () -> ()
    %mul3A_64 = arith.constant 640 : i32
    %mul3A_65 = arith.muli %arg1, %mul3A_64 : i32
    %add3A_66 = arith.constant 80 : i32
    %add3A_67 = arith.addi %mul3A_65, %add3A_66 : i32
    "tpu.region"() ({
      %run_scoped3A_185 = tpu.sem_alloc : memref<!tpu.dma_semaphore, #tpu.memory_space<semaphore_mem>>
      %dma_start3A_186 = arith.constant 0 : i32
      %dma_start3A_187 = tpu.memref_slice %arg12[%add3A_67, %dma_start3A_186] : memref<10240x128xf32, #tpu.memory_space<vmem_shared>> -> memref<80x128xf32, #tpu.memory_space<vmem_shared>>
      %dma_start3A_188 = arith.constant 0 : i32
      %dma_start3A_189 = tpu.memref_slice %arg12[%add3A_67, %dma_start3A_188] : memref<10240x128xf32, #tpu.memory_space<vmem_shared>> -> memref<80x128xf32, #tpu.memory_space<vmem_shared>>
      tpu.enqueue_dma source(%arg10 : memref<80x128xf32, #tpu.memory_space<vmem>>) target(%dma_start3A_189 : memref<80x128xf32, #tpu.memory_space<vmem_shared>>) target_semaphore(%run_scoped3A_185 : memref<!tpu.dma_semaphore, #tpu.memory_space<semaphore_mem>>)
      %dma_wait3A_190 = arith.constant 0 : i32
      %dma_wait3A_191 = tpu.memref_slice %arg12[%add3A_67, %dma_wait3A_190] : memref<10240x128xf32, #tpu.memory_space<vmem_shared>> -> memref<80x128xf32, #tpu.memory_space<vmem_shared>>
      %dma_wait3A_192 = arith.constant 0 : i32
      %dma_wait3A_193 = tpu.memref_slice %arg12[%add3A_67, %dma_wait3A_192] : memref<10240x128xf32, #tpu.memory_space<vmem_shared>> -> memref<80x128xf32, #tpu.memory_space<vmem_shared>>
      tpu.wait_dma2 semaphore(%run_scoped3A_185 : memref<!tpu.dma_semaphore, #tpu.memory_space<semaphore_mem>>) src(%arg10 : memref<80x128xf32, #tpu.memory_space<vmem>>) dst(%dma_wait3A_193 : memref<80x128xf32, #tpu.memory_space<vmem_shared>>)
      tpu.yield
    }) : () -> ()
    %mul3A_68 = arith.constant 640 : i32
    %mul3A_69 = arith.muli %arg1, %mul3A_68 : i32
    %add3A_70 = arith.constant 160 : i32
    %add3A_71 = arith.addi %mul3A_69, %add3A_70 : i32
    "tpu.region"() ({
      %run_scoped3A_185 = tpu.sem_alloc : memref<!tpu.dma_semaphore, #tpu.memory_space<semaphore_mem>>
      %dma_start3A_186 = arith.constant 0 : i32
      %dma_start3A_187 = tpu.memref_slice %arg12[%add3A_71, %dma_start3A_186] : memref<10240x128xf32, #tpu.memory_space<vmem_shared>> -> memref<80x128xf32, #tpu.memory_space<vmem_shared>>
      %dma_start3A_188 = arith.constant 0 : i32
      %dma_start3A_189 = tpu.memref_slice %arg12[%add3A_71, %dma_start3A_188] : memref<10240x128xf32, #tpu.memory_space<vmem_shared>> -> memref<80x128xf32, #tpu.memory_space<vmem_shared>>
      tpu.enqueue_dma source(%arg10 : memref<80x128xf32, #tpu.memory_space<vmem>>) target(%dma_start3A_189 : memref<80x128xf32, #tpu.memory_space<vmem_shared>>) target_semaphore(%run_scoped3A_185 : memref<!tpu.dma_semaphore, #tpu.memory_space<semaphore_mem>>)
      %dma_wait3A_190 = arith.constant 0 : i32
      %dma_wait3A_191 = tpu.memref_slice %arg12[%add3A_71, %dma_wait3A_190] : memref<10240x128xf32, #tpu.memory_space<vmem_shared>> -> memref<80x128xf32, #tpu.memory_space<vmem_shared>>
      %dma_wait3A_192 = arith.constant 0 : i32
      %dma_wait3A_193 = tpu.memref_slice %arg12[%add3A_71, %dma_wait3A_192] : memref<10240x128xf32, #tpu.memory_space<vmem_shared>> -> memref<80x128xf32, #tpu.memory_space<vmem_shared>>
      tpu.wait_dma2 semaphore(%run_scoped3A_185 : memref<!tpu.dma_semaphore, #tpu.memory_space<semaphore_mem>>) src(%arg10 : memref<80x128xf32, #tpu.memory_space<vmem>>) dst(%dma_wait3A_193 : memref<80x128xf32, #tpu.memory_space<vmem_shared>>)
      tpu.yield
    }) : () -> ()
    %mul3A_72 = arith.constant 640 : i32
    %mul3A_73 = arith.muli %arg1, %mul3A_72 : i32
    %add3A_74 = arith.constant 240 : i32
    %add3A_75 = arith.addi %mul3A_73, %add3A_74 : i32
    "tpu.region"() ({
      %run_scoped3A_185 = tpu.sem_alloc : memref<!tpu.dma_semaphore, #tpu.memory_space<semaphore_mem>>
      %dma_start3A_186 = arith.constant 0 : i32
      %dma_start3A_187 = tpu.memref_slice %arg12[%add3A_75, %dma_start3A_186] : memref<10240x128xf32, #tpu.memory_space<vmem_shared>> -> memref<80x128xf32, #tpu.memory_space<vmem_shared>>
      %dma_start3A_188 = arith.constant 0 : i32
      %dma_start3A_189 = tpu.memref_slice %arg12[%add3A_75, %dma_start3A_188] : memref<10240x128xf32, #tpu.memory_space<vmem_shared>> -> memref<80x128xf32, #tpu.memory_space<vmem_shared>>
      tpu.enqueue_dma source(%arg10 : memref<80x128xf32, #tpu.memory_space<vmem>>) target(%dma_start3A_189 : memref<80x128xf32, #tpu.memory_space<vmem_shared>>) target_semaphore(%run_scoped3A_185 : memref<!tpu.dma_semaphore, #tpu.memory_space<semaphore_mem>>)
      %dma_wait3A_190 = arith.constant 0 : i32
      %dma_wait3A_191 = tpu.memref_slice %arg12[%add3A_75, %dma_wait3A_190] : memref<10240x128xf32, #tpu.memory_space<vmem_shared>> -> memref<80x128xf32, #tpu.memory_space<vmem_shared>>
      %dma_wait3A_192 = arith.constant 0 : i32
      %dma_wait3A_193 = tpu.memref_slice %arg12[%add3A_75, %dma_wait3A_192] : memref<10240x128xf32, #tpu.memory_space<vmem_shared>> -> memref<80x128xf32, #tpu.memory_space<vmem_shared>>
      tpu.wait_dma2 semaphore(%run_scoped3A_185 : memref<!tpu.dma_semaphore, #tpu.memory_space<semaphore_mem>>) src(%arg10 : memref<80x128xf32, #tpu.memory_space<vmem>>) dst(%dma_wait3A_193 : memref<80x128xf32, #tpu.memory_space<vmem_shared>>)
      tpu.yield
    }) : () -> ()
    %mul3A_76 = arith.constant 640 : i32
    %mul3A_77 = arith.muli %arg1, %mul3A_76 : i32
    %add3A_78 = arith.constant 320 : i32
    %add3A_79 = arith.addi %mul3A_77, %add3A_78 : i32
    "tpu.region"() ({
      %run_scoped3A_185 = tpu.sem_alloc : memref<!tpu.dma_semaphore, #tpu.memory_space<semaphore_mem>>
      %dma_start3A_186 = arith.constant 0 : i32
      %dma_start3A_187 = tpu.memref_slice %arg12[%add3A_79, %dma_start3A_186] : memref<10240x128xf32, #tpu.memory_space<vmem_shared>> -> memref<80x128xf32, #tpu.memory_space<vmem_shared>>
      %dma_start3A_188 = arith.constant 0 : i32
      %dma_start3A_189 = tpu.memref_slice %arg12[%add3A_79, %dma_start3A_188] : memref<10240x128xf32, #tpu.memory_space<vmem_shared>> -> memref<80x128xf32, #tpu.memory_space<vmem_shared>>
      tpu.enqueue_dma source(%arg10 : memref<80x128xf32, #tpu.memory_space<vmem>>) target(%dma_start3A_189 : memref<80x128xf32, #tpu.memory_space<vmem_shared>>) target_semaphore(%run_scoped3A_185 : memref<!tpu.dma_semaphore, #tpu.memory_space<semaphore_mem>>)
      %dma_wait3A_190 = arith.constant 0 : i32
      %dma_wait3A_191 = tpu.memref_slice %arg12[%add3A_79, %dma_wait3A_190] : memref<10240x128xf32, #tpu.memory_space<vmem_shared>> -> memref<80x128xf32, #tpu.memory_space<vmem_shared>>
      %dma_wait3A_192 = arith.constant 0 : i32
      %dma_wait3A_193 = tpu.memref_slice %arg12[%add3A_79, %dma_wait3A_192] : memref<10240x128xf32, #tpu.memory_space<vmem_shared>> -> memref<80x128xf32, #tpu.memory_space<vmem_shared>>
      tpu.wait_dma2 semaphore(%run_scoped3A_185 : memref<!tpu.dma_semaphore, #tpu.memory_space<semaphore_mem>>) src(%arg10 : memref<80x128xf32, #tpu.memory_space<vmem>>) dst(%dma_wait3A_193 : memref<80x128xf32, #tpu.memory_space<vmem_shared>>)
      tpu.yield
    }) : () -> ()
    %mul3A_80 = arith.constant 640 : i32
    %mul3A_81 = arith.muli %arg1, %mul3A_80 : i32
    %add3A_82 = arith.constant 400 : i32
    %add3A_83 = arith.addi %mul3A_81, %add3A_82 : i32
    "tpu.region"() ({
      %run_scoped3A_185 = tpu.sem_alloc : memref<!tpu.dma_semaphore, #tpu.memory_space<semaphore_mem>>
      %dma_start3A_186 = arith.constant 0 : i32
      %dma_start3A_187 = tpu.memref_slice %arg12[%add3A_83, %dma_start3A_186] : memref<10240x128xf32, #tpu.memory_space<vmem_shared>> -> memref<80x128xf32, #tpu.memory_space<vmem_shared>>
      %dma_start3A_188 = arith.constant 0 : i32
      %dma_start3A_189 = tpu.memref_slice %arg12[%add3A_83, %dma_start3A_188] : memref<10240x128xf32, #tpu.memory_space<vmem_shared>> -> memref<80x128xf32, #tpu.memory_space<vmem_shared>>
      tpu.enqueue_dma source(%arg10 : memref<80x128xf32, #tpu.memory_space<vmem>>) target(%dma_start3A_189 : memref<80x128xf32, #tpu.memory_space<vmem_shared>>) target_semaphore(%run_scoped3A_185 : memref<!tpu.dma_semaphore, #tpu.memory_space<semaphore_mem>>)
      %dma_wait3A_190 = arith.constant 0 : i32
      %dma_wait3A_191 = tpu.memref_slice %arg12[%add3A_83, %dma_wait3A_190] : memref<10240x128xf32, #tpu.memory_space<vmem_shared>> -> memref<80x128xf32, #tpu.memory_space<vmem_shared>>
      %dma_wait3A_192 = arith.constant 0 : i32
      %dma_wait3A_193 = tpu.memref_slice %arg12[%add3A_83, %dma_wait3A_192] : memref<10240x128xf32, #tpu.memory_space<vmem_shared>> -> memref<80x128xf32, #tpu.memory_space<vmem_shared>>
      tpu.wait_dma2 semaphore(%run_scoped3A_185 : memref<!tpu.dma_semaphore, #tpu.memory_space<semaphore_mem>>) src(%arg10 : memref<80x128xf32, #tpu.memory_space<vmem>>) dst(%dma_wait3A_193 : memref<80x128xf32, #tpu.memory_space<vmem_shared>>)
      tpu.yield
    }) : () -> ()
    %mul3A_84 = arith.constant 640 : i32
    %mul3A_85 = arith.muli %arg1, %mul3A_84 : i32
    %add3A_86 = arith.constant 480 : i32
    %add3A_87 = arith.addi %mul3A_85, %add3A_86 : i32
    "tpu.region"() ({
      %run_scoped3A_185 = tpu.sem_alloc : memref<!tpu.dma_semaphore, #tpu.memory_space<semaphore_mem>>
      %dma_start3A_186 = arith.constant 0 : i32
      %dma_start3A_187 = tpu.memref_slice %arg12[%add3A_87, %dma_start3A_186] : memref<10240x128xf32, #tpu.memory_space<vmem_shared>> -> memref<80x128xf32, #tpu.memory_space<vmem_shared>>
      %dma_start3A_188 = arith.constant 0 : i32
      %dma_start3A_189 = tpu.memref_slice %arg12[%add3A_87, %dma_start3A_188] : memref<10240x128xf32, #tpu.memory_space<vmem_shared>> -> memref<80x128xf32, #tpu.memory_space<vmem_shared>>
      tpu.enqueue_dma source(%arg10 : memref<80x128xf32, #tpu.memory_space<vmem>>) target(%dma_start3A_189 : memref<80x128xf32, #tpu.memory_space<vmem_shared>>) target_semaphore(%run_scoped3A_185 : memref<!tpu.dma_semaphore, #tpu.memory_space<semaphore_mem>>)
      %dma_wait3A_190 = arith.constant 0 : i32
      %dma_wait3A_191 = tpu.memref_slice %arg12[%add3A_87, %dma_wait3A_190] : memref<10240x128xf32, #tpu.memory_space<vmem_shared>> -> memref<80x128xf32, #tpu.memory_space<vmem_shared>>
      %dma_wait3A_192 = arith.constant 0 : i32
      %dma_wait3A_193 = tpu.memref_slice %arg12[%add3A_87, %dma_wait3A_192] : memref<10240x128xf32, #tpu.memory_space<vmem_shared>> -> memref<80x128xf32, #tpu.memory_space<vmem_shared>>
      tpu.wait_dma2 semaphore(%run_scoped3A_185 : memref<!tpu.dma_semaphore, #tpu.memory_space<semaphore_mem>>) src(%arg10 : memref<80x128xf32, #tpu.memory_space<vmem>>) dst(%dma_wait3A_193 : memref<80x128xf32, #tpu.memory_space<vmem_shared>>)
      tpu.yield
    }) : () -> ()
    %mul3A_88 = arith.constant 640 : i32
    %mul3A_89 = arith.muli %arg1, %mul3A_88 : i32
    %add3A_90 = arith.constant 560 : i32
    %add3A_91 = arith.addi %mul3A_89, %add3A_90 : i32
    "tpu.region"() ({
      %run_scoped3A_185 = tpu.sem_alloc : memref<!tpu.dma_semaphore, #tpu.memory_space<semaphore_mem>>
      %dma_start3A_186 = arith.constant 0 : i32
      %dma_start3A_187 = tpu.memref_slice %arg12[%add3A_91, %dma_start3A_186] : memref<10240x128xf32, #tpu.memory_space<vmem_shared>> -> memref<80x128xf32, #tpu.memory_space<vmem_shared>>
      %dma_start3A_188 = arith.constant 0 : i32
      %dma_start3A_189 = tpu.memref_slice %arg12[%add3A_91, %dma_start3A_188] : memref<10240x128xf32, #tpu.memory_space<vmem_shared>> -> memref<80x128xf32, #tpu.memory_space<vmem_shared>>
      tpu.enqueue_dma source(%arg10 : memref<80x128xf32, #tpu.memory_space<vmem>>) target(%dma_start3A_189 : memref<80x128xf32, #tpu.memory_space<vmem_shared>>) target_semaphore(%run_scoped3A_185 : memref<!tpu.dma_semaphore, #tpu.memory_space<semaphore_mem>>)
      %dma_wait3A_190 = arith.constant 0 : i32
      %dma_wait3A_191 = tpu.memref_slice %arg12[%add3A_91, %dma_wait3A_190] : memref<10240x128xf32, #tpu.memory_space<vmem_shared>> -> memref<80x128xf32, #tpu.memory_space<vmem_shared>>
      %dma_wait3A_192 = arith.constant 0 : i32
      %dma_wait3A_193 = tpu.memref_slice %arg12[%add3A_91, %dma_wait3A_192] : memref<10240x128xf32, #tpu.memory_space<vmem_shared>> -> memref<80x128xf32, #tpu.memory_space<vmem_shared>>
      tpu.wait_dma2 semaphore(%run_scoped3A_185 : memref<!tpu.dma_semaphore, #tpu.memory_space<semaphore_mem>>) src(%arg10 : memref<80x128xf32, #tpu.memory_space<vmem>>) dst(%dma_wait3A_193 : memref<80x128xf32, #tpu.memory_space<vmem_shared>>)
      tpu.yield
    }) : () -> ()
    %run_scoped3A = arith.constant 0 : i32
    %run_scoped3A_92 = arith.constant 0 : i32
    "tpu.region"() ({
      %run_scoped3A_185 = tpu.sem_alloc : memref<!tpu.dma_semaphore, #tpu.memory_space<semaphore_mem>>
      %dma_start3A_186 = arith.constant 0 : i32
      %dma_start3A_187 = arith.constant 0 : i32
      %dma_start3A_188 = tpu.memref_slice %arg9[%run_scoped3A_92, %dma_start3A_186, %dma_start3A_187] : memref<4x2x80xi32, #tpu.memory_space<vmem>> -> memref<1x2x80xi32, #tpu.memory_space<vmem>>
      %dma_start3A_189 = tpu.memref_squeeze %dma_start3A_188 : memref<1x2x80xi32, #tpu.memory_space<vmem>> -> memref<2x80xi32, #tpu.memory_space<vmem>>
      %dma_start3A_190 = arith.constant 0 : i32
      %dma_start3A_191 = arith.constant 0 : i32
      %dma_start3A_192 = tpu.memref_slice %arg5[%add3A, %run_scoped3A, %dma_start3A_190, %dma_start3A_191] : memref<32x128x2x80xi32, #tpu.memory_space<hbm>> -> memref<1x1x2x80xi32, #tpu.memory_space<hbm>>
      %dma_start3A_193 = tpu.memref_squeeze %dma_start3A_192 : memref<1x1x2x80xi32, #tpu.memory_space<hbm>> -> memref<2x80xi32, #tpu.memory_space<hbm>>
      %dma_start3A_194 = arith.constant 0 : i32
      %dma_start3A_195 = arith.constant 0 : i32
      %dma_start3A_196 = tpu.memref_slice %arg9[%run_scoped3A_92, %dma_start3A_194, %dma_start3A_195] : memref<4x2x80xi32, #tpu.memory_space<vmem>> -> memref<1x2x80xi32, #tpu.memory_space<vmem>>
      %dma_start3A_197 = tpu.memref_squeeze %dma_start3A_196 : memref<1x2x80xi32, #tpu.memory_space<vmem>> -> memref<2x80xi32, #tpu.memory_space<vmem>>
      %dma_start3A_198 = arith.constant 0 : i32
      %dma_start3A_199 = arith.constant 0 : i32
      %dma_start3A_200 = tpu.memref_slice %arg5[%add3A, %run_scoped3A, %dma_start3A_198, %dma_start3A_199] : memref<32x128x2x80xi32, #tpu.memory_space<hbm>> -> memref<1x1x2x80xi32, #tpu.memory_space<hbm>>
      %dma_start3A_201 = tpu.memref_squeeze %dma_start3A_200 : memref<1x1x2x80xi32, #tpu.memory_space<hbm>> -> memref<2x80xi32, #tpu.memory_space<hbm>>
      tpu.enqueue_dma source(%dma_start3A_201 : memref<2x80xi32, #tpu.memory_space<hbm>>) target(%dma_start3A_197 : memref<2x80xi32, #tpu.memory_space<vmem>>) target_semaphore(%run_scoped3A_185 : memref<!tpu.dma_semaphore, #tpu.memory_space<semaphore_mem>>)
      %dma_wait3A_202 = arith.constant 0 : i32
      %dma_wait3A_203 = arith.constant 0 : i32
      %dma_wait3A_204 = tpu.memref_slice %arg9[%run_scoped3A_92, %dma_wait3A_202, %dma_wait3A_203] : memref<4x2x80xi32, #tpu.memory_space<vmem>> -> memref<1x2x80xi32, #tpu.memory_space<vmem>>
      %dma_wait3A_205 = tpu.memref_squeeze %dma_wait3A_204 : memref<1x2x80xi32, #tpu.memory_space<vmem>> -> memref<2x80xi32, #tpu.memory_space<vmem>>
      %dma_wait3A_206 = arith.constant 0 : i32
      %dma_wait3A_207 = arith.constant 0 : i32
      %dma_wait3A_208 = tpu.memref_slice %arg5[%add3A, %run_scoped3A, %dma_wait3A_206, %dma_wait3A_207] : memref<32x128x2x80xi32, #tpu.memory_space<hbm>> -> memref<1x1x2x80xi32, #tpu.memory_space<hbm>>
      %dma_wait3A_209 = tpu.memref_squeeze %dma_wait3A_208 : memref<1x1x2x80xi32, #tpu.memory_space<hbm>> -> memref<2x80xi32, #tpu.memory_space<hbm>>
      %dma_wait3A_210 = arith.constant 0 : i32
      %dma_wait3A_211 = arith.constant 0 : i32
      %dma_wait3A_212 = tpu.memref_slice %arg9[%run_scoped3A_92, %dma_wait3A_210, %dma_wait3A_211] : memref<4x2x80xi32, #tpu.memory_space<vmem>> -> memref<1x2x80xi32, #tpu.memory_space<vmem>>
      %dma_wait3A_213 = tpu.memref_squeeze %dma_wait3A_212 : memref<1x2x80xi32, #tpu.memory_space<vmem>> -> memref<2x80xi32, #tpu.memory_space<vmem>>
      %dma_wait3A_214 = arith.constant 0 : i32
      %dma_wait3A_215 = arith.constant 0 : i32
      %dma_wait3A_216 = tpu.memref_slice %arg5[%add3A, %run_scoped3A, %dma_wait3A_214, %dma_wait3A_215] : memref<32x128x2x80xi32, #tpu.memory_space<hbm>> -> memref<1x1x2x80xi32, #tpu.memory_space<hbm>>
      %dma_wait3A_217 = tpu.memref_squeeze %dma_wait3A_216 : memref<1x1x2x80xi32, #tpu.memory_space<hbm>> -> memref<2x80xi32, #tpu.memory_space<hbm>>
      tpu.wait_dma2 semaphore(%run_scoped3A_185 : memref<!tpu.dma_semaphore, #tpu.memory_space<semaphore_mem>>) src(%dma_wait3A_217 : memref<2x80xi32, #tpu.memory_space<hbm>>) dst(%dma_wait3A_213 : memref<2x80xi32, #tpu.memory_space<vmem>>)
      tpu.yield
    }) : () -> ()
    %run_scoped3A_93 = arith.constant 1 : i32
    %run_scoped3A_94 = arith.constant 1 : i32
    "tpu.region"() ({
      %run_scoped3A_185 = tpu.sem_alloc : memref<!tpu.dma_semaphore, #tpu.memory_space<semaphore_mem>>
      %dma_start3A_186 = arith.constant 0 : i32
      %dma_start3A_187 = arith.constant 0 : i32
      %dma_start3A_188 = tpu.memref_slice %arg9[%run_scoped3A_94, %dma_start3A_186, %dma_start3A_187] : memref<4x2x80xi32, #tpu.memory_space<vmem>> -> memref<1x2x80xi32, #tpu.memory_space<vmem>>
      %dma_start3A_189 = tpu.memref_squeeze %dma_start3A_188 : memref<1x2x80xi32, #tpu.memory_space<vmem>> -> memref<2x80xi32, #tpu.memory_space<vmem>>
      %dma_start3A_190 = arith.constant 0 : i32
      %dma_start3A_191 = arith.constant 0 : i32
      %dma_start3A_192 = tpu.memref_slice %arg5[%add3A, %run_scoped3A_93, %dma_start3A_190, %dma_start3A_191] : memref<32x128x2x80xi32, #tpu.memory_space<hbm>> -> memref<1x1x2x80xi32, #tpu.memory_space<hbm>>
      %dma_start3A_193 = tpu.memref_squeeze %dma_start3A_192 : memref<1x1x2x80xi32, #tpu.memory_space<hbm>> -> memref<2x80xi32, #tpu.memory_space<hbm>>
      %dma_start3A_194 = arith.constant 0 : i32
      %dma_start3A_195 = arith.constant 0 : i32
      %dma_start3A_196 = tpu.memref_slice %arg9[%run_scoped3A_94, %dma_start3A_194, %dma_start3A_195] : memref<4x2x80xi32, #tpu.memory_space<vmem>> -> memref<1x2x80xi32, #tpu.memory_space<vmem>>
      %dma_start3A_197 = tpu.memref_squeeze %dma_start3A_196 : memref<1x2x80xi32, #tpu.memory_space<vmem>> -> memref<2x80xi32, #tpu.memory_space<vmem>>
      %dma_start3A_198 = arith.constant 0 : i32
      %dma_start3A_199 = arith.constant 0 : i32
      %dma_start3A_200 = tpu.memref_slice %arg5[%add3A, %run_scoped3A_93, %dma_start3A_198, %dma_start3A_199] : memref<32x128x2x80xi32, #tpu.memory_space<hbm>> -> memref<1x1x2x80xi32, #tpu.memory_space<hbm>>
      %dma_start3A_201 = tpu.memref_squeeze %dma_start3A_200 : memref<1x1x2x80xi32, #tpu.memory_space<hbm>> -> memref<2x80xi32, #tpu.memory_space<hbm>>
      tpu.enqueue_dma source(%dma_start3A_201 : memref<2x80xi32, #tpu.memory_space<hbm>>) target(%dma_start3A_197 : memref<2x80xi32, #tpu.memory_space<vmem>>) target_semaphore(%run_scoped3A_185 : memref<!tpu.dma_semaphore, #tpu.memory_space<semaphore_mem>>)
      %dma_wait3A_202 = arith.constant 0 : i32
      %dma_wait3A_203 = arith.constant 0 : i32
      %dma_wait3A_204 = tpu.memref_slice %arg9[%run_scoped3A_94, %dma_wait3A_202, %dma_wait3A_203] : memref<4x2x80xi32, #tpu.memory_space<vmem>> -> memref<1x2x80xi32, #tpu.memory_space<vmem>>
      %dma_wait3A_205 = tpu.memref_squeeze %dma_wait3A_204 : memref<1x2x80xi32, #tpu.memory_space<vmem>> -> memref<2x80xi32, #tpu.memory_space<vmem>>
      %dma_wait3A_206 = arith.constant 0 : i32
      %dma_wait3A_207 = arith.constant 0 : i32
      %dma_wait3A_208 = tpu.memref_slice %arg5[%add3A, %run_scoped3A_93, %dma_wait3A_206, %dma_wait3A_207] : memref<32x128x2x80xi32, #tpu.memory_space<hbm>> -> memref<1x1x2x80xi32, #tpu.memory_space<hbm>>
      %dma_wait3A_209 = tpu.memref_squeeze %dma_wait3A_208 : memref<1x1x2x80xi32, #tpu.memory_space<hbm>> -> memref<2x80xi32, #tpu.memory_space<hbm>>
      %dma_wait3A_210 = arith.constant 0 : i32
      %dma_wait3A_211 = arith.constant 0 : i32
      %dma_wait3A_212 = tpu.memref_slice %arg9[%run_scoped3A_94, %dma_wait3A_210, %dma_wait3A_211] : memref<4x2x80xi32, #tpu.memory_space<vmem>> -> memref<1x2x80xi32, #tpu.memory_space<vmem>>
      %dma_wait3A_213 = tpu.memref_squeeze %dma_wait3A_212 : memref<1x2x80xi32, #tpu.memory_space<vmem>> -> memref<2x80xi32, #tpu.memory_space<vmem>>
      %dma_wait3A_214 = arith.constant 0 : i32
      %dma_wait3A_215 = arith.constant 0 : i32
      %dma_wait3A_216 = tpu.memref_slice %arg5[%add3A, %run_scoped3A_93, %dma_wait3A_214, %dma_wait3A_215] : memref<32x128x2x80xi32, #tpu.memory_space<hbm>> -> memref<1x1x2x80xi32, #tpu.memory_space<hbm>>
      %dma_wait3A_217 = tpu.memref_squeeze %dma_wait3A_216 : memref<1x1x2x80xi32, #tpu.memory_space<hbm>> -> memref<2x80xi32, #tpu.memory_space<hbm>>
      tpu.wait_dma2 semaphore(%run_scoped3A_185 : memref<!tpu.dma_semaphore, #tpu.memory_space<semaphore_mem>>) src(%dma_wait3A_217 : memref<2x80xi32, #tpu.memory_space<hbm>>) dst(%dma_wait3A_213 : memref<2x80xi32, #tpu.memory_space<vmem>>)
      tpu.yield
    }) : () -> ()
    %dma_start3A_95 = arith.constant 2 : i32
    %dma_start3A_96 = arith.constant 2 : i32
    %dma_start3A_97 = arith.constant 0 : i32
    %dma_start3A_98 = arith.constant 0 : i32
    %dma_start3A_99 = tpu.memref_slice %arg9[%dma_start3A_96, %dma_start3A_97, %dma_start3A_98] : memref<4x2x80xi32, #tpu.memory_space<vmem>> -> memref<1x2x80xi32, #tpu.memory_space<vmem>>
    %dma_start3A_100 = tpu.memref_squeeze %dma_start3A_99 : memref<1x2x80xi32, #tpu.memory_space<vmem>> -> memref<2x80xi32, #tpu.memory_space<vmem>>
    %dma_start3A_101 = arith.constant 0 : i32
    %dma_start3A_102 = arith.constant 0 : i32
    %dma_start3A_103 = tpu.memref_slice %arg5[%add3A, %dma_start3A_95, %dma_start3A_101, %dma_start3A_102] : memref<32x128x2x80xi32, #tpu.memory_space<hbm>> -> memref<1x1x2x80xi32, #tpu.memory_space<hbm>>
    %dma_start3A_104 = tpu.memref_squeeze %dma_start3A_103 : memref<1x1x2x80xi32, #tpu.memory_space<hbm>> -> memref<2x80xi32, #tpu.memory_space<hbm>>
    %dma_start3A_105 = arith.constant 0 : i32
    %dma_start3A_106 = arith.constant 0 : i32
    %dma_start3A_107 = tpu.memref_slice %arg9[%dma_start3A_96, %dma_start3A_105, %dma_start3A_106] : memref<4x2x80xi32, #tpu.memory_space<vmem>> -> memref<1x2x80xi32, #tpu.memory_space<vmem>>
    %dma_start3A_108 = tpu.memref_squeeze %dma_start3A_107 : memref<1x2x80xi32, #tpu.memory_space<vmem>> -> memref<2x80xi32, #tpu.memory_space<vmem>>
    %dma_start3A_109 = arith.constant 0 : i32
    %dma_start3A_110 = arith.constant 0 : i32
    %dma_start3A_111 = tpu.memref_slice %arg5[%add3A, %dma_start3A_95, %dma_start3A_109, %dma_start3A_110] : memref<32x128x2x80xi32, #tpu.memory_space<hbm>> -> memref<1x1x2x80xi32, #tpu.memory_space<hbm>>
    %dma_start3A_112 = tpu.memref_squeeze %dma_start3A_111 : memref<1x1x2x80xi32, #tpu.memory_space<hbm>> -> memref<2x80xi32, #tpu.memory_space<hbm>>
    tpu.enqueue_dma source(%dma_start3A_112 : memref<2x80xi32, #tpu.memory_space<hbm>>) target(%dma_start3A_108 : memref<2x80xi32, #tpu.memory_space<vmem>>) target_semaphore(%arg15 : memref<!tpu.dma_semaphore, #tpu.memory_space<semaphore_mem>>)
    %dma_start3A_113 = arith.constant 3 : i32
    %dma_start3A_114 = arith.constant 3 : i32
    %dma_start3A_115 = arith.constant 0 : i32
    %dma_start3A_116 = arith.constant 0 : i32
    %dma_start3A_117 = tpu.memref_slice %arg9[%dma_start3A_114, %dma_start3A_115, %dma_start3A_116] : memref<4x2x80xi32, #tpu.memory_space<vmem>> -> memref<1x2x80xi32, #tpu.memory_space<vmem>>
    %dma_start3A_118 = tpu.memref_squeeze %dma_start3A_117 : memref<1x2x80xi32, #tpu.memory_space<vmem>> -> memref<2x80xi32, #tpu.memory_space<vmem>>
    %dma_start3A_119 = arith.constant 0 : i32
    %dma_start3A_120 = arith.constant 0 : i32
    %dma_start3A_121 = tpu.memref_slice %arg5[%add3A, %dma_start3A_113, %dma_start3A_119, %dma_start3A_120] : memref<32x128x2x80xi32, #tpu.memory_space<hbm>> -> memref<1x1x2x80xi32, #tpu.memory_space<hbm>>
    %dma_start3A_122 = tpu.memref_squeeze %dma_start3A_121 : memref<1x1x2x80xi32, #tpu.memory_space<hbm>> -> memref<2x80xi32, #tpu.memory_space<hbm>>
    %dma_start3A_123 = arith.constant 0 : i32
    %dma_start3A_124 = arith.constant 0 : i32
    %dma_start3A_125 = tpu.memref_slice %arg9[%dma_start3A_114, %dma_start3A_123, %dma_start3A_124] : memref<4x2x80xi32, #tpu.memory_space<vmem>> -> memref<1x2x80xi32, #tpu.memory_space<vmem>>
    %dma_start3A_126 = tpu.memref_squeeze %dma_start3A_125 : memref<1x2x80xi32, #tpu.memory_space<vmem>> -> memref<2x80xi32, #tpu.memory_space<vmem>>
    %dma_start3A_127 = arith.constant 0 : i32
    %dma_start3A_128 = arith.constant 0 : i32
    %dma_start3A_129 = tpu.memref_slice %arg5[%add3A, %dma_start3A_113, %dma_start3A_127, %dma_start3A_128] : memref<32x128x2x80xi32, #tpu.memory_space<hbm>> -> memref<1x1x2x80xi32, #tpu.memory_space<hbm>>
    %dma_start3A_130 = tpu.memref_squeeze %dma_start3A_129 : memref<1x1x2x80xi32, #tpu.memory_space<hbm>> -> memref<2x80xi32, #tpu.memory_space<hbm>>
    tpu.enqueue_dma source(%dma_start3A_130 : memref<2x80xi32, #tpu.memory_space<hbm>>) target(%dma_start3A_126 : memref<2x80xi32, #tpu.memory_space<vmem>>) target_semaphore(%arg15 : memref<!tpu.dma_semaphore, #tpu.memory_space<semaphore_mem>>)
    %dma_start3A_131 = arith.constant 0 : i32
    %dma_start3A_132 = arith.constant 0 : i32
    %dma_start3A_133 = arith.constant 0 : i32
    %dma_start3A_134 = tpu.memref_slice %arg9[%dma_start3A_131, %dma_start3A_132, %dma_start3A_133] : memref<4x2x80xi32, #tpu.memory_space<vmem>> -> memref<1x1x80xi32, #tpu.memory_space<vmem>>
    %dma_start3A_135 = tpu.memref_squeeze %dma_start3A_134 : memref<1x1x80xi32, #tpu.memory_space<vmem>> -> memref<80xi32, #tpu.memory_space<vmem>>
    %dma_start3A_136 = arith.constant 0 : i32
    %dma_start3A_137 = arith.constant 0 : i32
    %dma_start3A_138 = tpu.memref_slice %arg4[%dma_start3A_136, %dma_start3A_137] : memref<100000x128xf32, #tpu.memory_space<hbm>> -> memref<100000x128xf32, #tpu.memory_space<hbm>>
    tpu.enqueue_indirect_dma source(%dma_start3A_138 : memref<100000x128xf32, #tpu.memory_space<hbm>>) target(%arg10 : memref<80x128xf32, #tpu.memory_space<vmem>>) offsets(%dma_start3A_135 : memref<80xi32, #tpu.memory_space<vmem>>) semaphore(%arg13 : memref<!tpu.dma_semaphore, #tpu.memory_space<semaphore_mem>>)
    %dma_start3A_139 = arith.constant 1 : i32
    %dma_start3A_140 = arith.constant 0 : i32
    %dma_start3A_141 = arith.constant 0 : i32
    %dma_start3A_142 = tpu.memref_slice %arg9[%dma_start3A_139, %dma_start3A_140, %dma_start3A_141] : memref<4x2x80xi32, #tpu.memory_space<vmem>> -> memref<1x1x80xi32, #tpu.memory_space<vmem>>
    %dma_start3A_143 = tpu.memref_squeeze %dma_start3A_142 : memref<1x1x80xi32, #tpu.memory_space<vmem>> -> memref<80xi32, #tpu.memory_space<vmem>>
    %dma_start3A_144 = arith.constant 0 : i32
    %dma_start3A_145 = arith.constant 0 : i32
    %dma_start3A_146 = tpu.memref_slice %arg4[%dma_start3A_144, %dma_start3A_145] : memref<100000x128xf32, #tpu.memory_space<hbm>> -> memref<100000x128xf32, #tpu.memory_space<hbm>>
    tpu.enqueue_indirect_dma source(%dma_start3A_146 : memref<100000x128xf32, #tpu.memory_space<hbm>>) target(%arg11 : memref<80x128xf32, #tpu.memory_space<vmem>>) offsets(%dma_start3A_143 : memref<80xi32, #tpu.memory_space<vmem>>) semaphore(%arg14 : memref<!tpu.dma_semaphore, #tpu.memory_space<semaphore_mem>>)
    %barrier3A = arith.constant 0 : index
    tpu.barrier barrier_id(%barrier3A)
    %scan3A_147 = arith.constant 0 : i32
    %scan3A_148 = arith.constant 32 : i32
    %scan3A_149 = arith.addi %scan3A_147, %scan3A_148 : i32
    %scan3A_150 = arith.constant 1 : i32
    scf.for %scan3A_185 = %scan3A_147 to %scan3A_149 step %scan3A_150  : i32 {
      %mul3A_186 = arith.constant 4 : i32
      %mul3A_187 = arith.muli %scan3A_185, %mul3A_186 : i32
      %add3A_188 = arith.constant 0 : i32
      %add3A_189 = arith.addi %add3A_188, %mul3A_187 : i32
      %dma_wait3A_190 = arith.constant 0 : i32
      %dma_wait3A_191 = arith.constant 0 : i32
      %dma_wait3A_192 = arith.constant 0 : i32
      %dma_wait3A_193 = tpu.memref_slice %arg9[%dma_wait3A_190, %dma_wait3A_191, %dma_wait3A_192] : memref<4x2x80xi32, #tpu.memory_space<vmem>> -> memref<1x1x80xi32, #tpu.memory_space<vmem>>
      %dma_wait3A_194 = tpu.memref_squeeze %dma_wait3A_193 : memref<1x1x80xi32, #tpu.memory_space<vmem>> -> memref<80xi32, #tpu.memory_space<vmem>>
      %dma_wait3A_195 = arith.constant 0 : i32
      %dma_wait3A_196 = arith.constant 0 : i32
      %dma_wait3A_197 = tpu.memref_slice %arg4[%dma_wait3A_195, %dma_wait3A_196] : memref<100000x128xf32, #tpu.memory_space<hbm>> -> memref<100000x128xf32, #tpu.memory_space<hbm>>
      tpu.wait_indirect_dma semaphore(%arg13 : memref<!tpu.dma_semaphore, #tpu.memory_space<semaphore_mem>>) src(%dma_wait3A_197 : memref<100000x128xf32, #tpu.memory_space<hbm>>) dst(%arg10 : memref<80x128xf32, #tpu.memory_space<vmem>>)
      %run_scoped3A_198 = arith.constant 0 : i32
      %run_scoped3A_199 = arith.constant 1 : i32
      "tpu.region"() ({
        %run_scoped3A_299 = tpu.sem_alloc : memref<!tpu.dma_semaphore, #tpu.memory_space<semaphore_mem>>
        %dma_start3A_300 = arith.constant 0 : i32
        %dma_start3A_301 = tpu.memref_slice %arg9[%run_scoped3A_198, %run_scoped3A_199, %dma_start3A_300] : memref<4x2x80xi32, #tpu.memory_space<vmem>> -> memref<1x1x80xi32, #tpu.memory_space<vmem>>
        %dma_start3A_302 = tpu.memref_squeeze %dma_start3A_301 : memref<1x1x80xi32, #tpu.memory_space<vmem>> -> memref<80xi32, #tpu.memory_space<vmem>>
        %dma_start3A_303 = arith.constant 0 : i32
        %dma_start3A_304 = arith.constant 0 : i32
        %dma_start3A_305 = tpu.memref_slice %arg12[%dma_start3A_303, %dma_start3A_304] : memref<10240x128xf32, #tpu.memory_space<vmem_shared>> -> memref<10240x128xf32, #tpu.memory_space<vmem_shared>>
        tpu.enqueue_indirect_dma source(%arg10 : memref<80x128xf32, #tpu.memory_space<vmem>>) target(%dma_start3A_305 : memref<10240x128xf32, #tpu.memory_space<vmem_shared>>) offsets(%dma_start3A_302 : memref<80xi32, #tpu.memory_space<vmem>>) semaphore(%run_scoped3A_299 : memref<!tpu.dma_semaphore, #tpu.memory_space<semaphore_mem>>) {add = true}
        %dma_wait3A_306 = arith.constant 0 : i32
        %dma_wait3A_307 = tpu.memref_slice %arg9[%run_scoped3A_198, %run_scoped3A_199, %dma_wait3A_306] : memref<4x2x80xi32, #tpu.memory_space<vmem>> -> memref<1x1x80xi32, #tpu.memory_space<vmem>>
        %dma_wait3A_308 = tpu.memref_squeeze %dma_wait3A_307 : memref<1x1x80xi32, #tpu.memory_space<vmem>> -> memref<80xi32, #tpu.memory_space<vmem>>
        %dma_wait3A_309 = arith.constant 0 : i32
        %dma_wait3A_310 = arith.constant 0 : i32
        %dma_wait3A_311 = tpu.memref_slice %arg12[%dma_wait3A_309, %dma_wait3A_310] : memref<10240x128xf32, #tpu.memory_space<vmem_shared>> -> memref<10240x128xf32, #tpu.memory_space<vmem_shared>>
        tpu.wait_indirect_dma semaphore(%run_scoped3A_299 : memref<!tpu.dma_semaphore, #tpu.memory_space<semaphore_mem>>) src(%arg10 : memref<80x128xf32, #tpu.memory_space<vmem>>) dst(%dma_wait3A_311 : memref<10240x128xf32, #tpu.memory_space<vmem_shared>>)
        tpu.yield
      }) : () -> ()
      %add3A_200 = arith.constant 0 : i32
      %add3A_201 = arith.addi %add3A_189, %add3A_200 : i32
      %add3A_202 = arith.constant 4 : i32
      %add3A_203 = arith.addi %add3A_201, %add3A_202 : i32
      %lt3A = arith.constant 128 : i32
      %lt3A_204 = arith.cmpi slt, %add3A_203, %lt3A : i32
      %convert_element_type3A = arith.extui %lt3A_204 : i1 to i32
      %cond3A = arith.constant 0 : i32
      %cond3A_205 = arith.cmpi ne, %convert_element_type3A, %cond3A : i32
      scf.if %cond3A_205 {
        %add3A_299 = arith.constant 0 : i32
        %add3A_300 = arith.addi %add3A_189, %add3A_299 : i32
        %add3A_301 = arith.constant 4 : i32
        %add3A_302 = arith.addi %add3A_300, %add3A_301 : i32
        %dma_start3A_303 = arith.constant 0 : i32
        %dma_start3A_304 = arith.constant 0 : i32
        %dma_start3A_305 = arith.constant 0 : i32
        %dma_start3A_306 = tpu.memref_slice %arg9[%dma_start3A_303, %dma_start3A_304, %dma_start3A_305] : memref<4x2x80xi32, #tpu.memory_space<vmem>> -> memref<1x2x80xi32, #tpu.memory_space<vmem>>
        %dma_start3A_307 = tpu.memref_squeeze %dma_start3A_306 : memref<1x2x80xi32, #tpu.memory_space<vmem>> -> memref<2x80xi32, #tpu.memory_space<vmem>>
        %dma_start3A_308 = arith.constant 0 : i32
        %dma_start3A_309 = arith.constant 0 : i32
        %dma_start3A_310 = tpu.memref_slice %arg5[%add3A, %add3A_302, %dma_start3A_308, %dma_start3A_309] : memref<32x128x2x80xi32, #tpu.memory_space<hbm>> -> memref<1x1x2x80xi32, #tpu.memory_space<hbm>>
        %dma_start3A_311 = tpu.memref_squeeze %dma_start3A_310 : memref<1x1x2x80xi32, #tpu.memory_space<hbm>> -> memref<2x80xi32, #tpu.memory_space<hbm>>
        %dma_start3A_312 = arith.constant 0 : i32
        %dma_start3A_313 = arith.constant 0 : i32
        %dma_start3A_314 = tpu.memref_slice %arg9[%dma_start3A_303, %dma_start3A_312, %dma_start3A_313] : memref<4x2x80xi32, #tpu.memory_space<vmem>> -> memref<1x2x80xi32, #tpu.memory_space<vmem>>
        %dma_start3A_315 = tpu.memref_squeeze %dma_start3A_314 : memref<1x2x80xi32, #tpu.memory_space<vmem>> -> memref<2x80xi32, #tpu.memory_space<vmem>>
        %dma_start3A_316 = arith.constant 0 : i32
        %dma_start3A_317 = arith.constant 0 : i32
        %dma_start3A_318 = tpu.memref_slice %arg5[%add3A, %add3A_302, %dma_start3A_316, %dma_start3A_317] : memref<32x128x2x80xi32, #tpu.memory_space<hbm>> -> memref<1x1x2x80xi32, #tpu.memory_space<hbm>>
        %dma_start3A_319 = tpu.memref_squeeze %dma_start3A_318 : memref<1x1x2x80xi32, #tpu.memory_space<hbm>> -> memref<2x80xi32, #tpu.memory_space<hbm>>
        tpu.enqueue_dma source(%dma_start3A_319 : memref<2x80xi32, #tpu.memory_space<hbm>>) target(%dma_start3A_315 : memref<2x80xi32, #tpu.memory_space<vmem>>) target_semaphore(%arg15 : memref<!tpu.dma_semaphore, #tpu.memory_space<semaphore_mem>>)
      } else {
      }
      %add3A_206 = arith.constant 0 : i32
      %add3A_207 = arith.addi %add3A_189, %add3A_206 : i32
      %add3A_208 = arith.constant 2 : i32
      %add3A_209 = arith.addi %add3A_207, %add3A_208 : i32
      %lt3A_210 = arith.constant 128 : i32
      %lt3A_211 = arith.cmpi slt, %add3A_209, %lt3A_210 : i32
      %convert_element_type3A_212 = arith.extui %lt3A_211 : i1 to i32
      %cond3A_213 = arith.constant 0 : i32
      %cond3A_214 = arith.cmpi ne, %convert_element_type3A_212, %cond3A_213 : i32
      scf.if %cond3A_214 {
        %add3A_299 = arith.constant 0 : i32
        %add3A_300 = arith.addi %add3A_189, %add3A_299 : i32
        %add3A_301 = arith.constant 2 : i32
        %add3A_302 = arith.addi %add3A_300, %add3A_301 : i32
        %dma_wait3A_303 = arith.constant 2 : i32
        %dma_wait3A_304 = arith.constant 0 : i32
        %dma_wait3A_305 = arith.constant 0 : i32
        %dma_wait3A_306 = tpu.memref_slice %arg9[%dma_wait3A_303, %dma_wait3A_304, %dma_wait3A_305] : memref<4x2x80xi32, #tpu.memory_space<vmem>> -> memref<1x2x80xi32, #tpu.memory_space<vmem>>
        %dma_wait3A_307 = tpu.memref_squeeze %dma_wait3A_306 : memref<1x2x80xi32, #tpu.memory_space<vmem>> -> memref<2x80xi32, #tpu.memory_space<vmem>>
        %dma_wait3A_308 = arith.constant 0 : i32
        %dma_wait3A_309 = arith.constant 0 : i32
        %dma_wait3A_310 = tpu.memref_slice %arg5[%add3A, %add3A_302, %dma_wait3A_308, %dma_wait3A_309] : memref<32x128x2x80xi32, #tpu.memory_space<hbm>> -> memref<1x1x2x80xi32, #tpu.memory_space<hbm>>
        %dma_wait3A_311 = tpu.memref_squeeze %dma_wait3A_310 : memref<1x1x2x80xi32, #tpu.memory_space<hbm>> -> memref<2x80xi32, #tpu.memory_space<hbm>>
        %dma_wait3A_312 = arith.constant 0 : i32
        %dma_wait3A_313 = arith.constant 0 : i32
        %dma_wait3A_314 = tpu.memref_slice %arg9[%dma_wait3A_303, %dma_wait3A_312, %dma_wait3A_313] : memref<4x2x80xi32, #tpu.memory_space<vmem>> -> memref<1x2x80xi32, #tpu.memory_space<vmem>>
        %dma_wait3A_315 = tpu.memref_squeeze %dma_wait3A_314 : memref<1x2x80xi32, #tpu.memory_space<vmem>> -> memref<2x80xi32, #tpu.memory_space<vmem>>
        %dma_wait3A_316 = arith.constant 0 : i32
        %dma_wait3A_317 = arith.constant 0 : i32
        %dma_wait3A_318 = tpu.memref_slice %arg5[%add3A, %add3A_302, %dma_wait3A_316, %dma_wait3A_317] : memref<32x128x2x80xi32, #tpu.memory_space<hbm>> -> memref<1x1x2x80xi32, #tpu.memory_space<hbm>>
        %dma_wait3A_319 = tpu.memref_squeeze %dma_wait3A_318 : memref<1x1x2x80xi32, #tpu.memory_space<hbm>> -> memref<2x80xi32, #tpu.memory_space<hbm>>
        tpu.wait_dma2 semaphore(%arg15 : memref<!tpu.dma_semaphore, #tpu.memory_space<semaphore_mem>>) src(%dma_wait3A_319 : memref<2x80xi32, #tpu.memory_space<hbm>>) dst(%dma_wait3A_315 : memref<2x80xi32, #tpu.memory_space<vmem>>)
        %dma_start3A_320 = arith.constant 2 : i32
        %dma_start3A_321 = arith.constant 0 : i32
        %dma_start3A_322 = arith.constant 0 : i32
        %dma_start3A_323 = tpu.memref_slice %arg9[%dma_start3A_320, %dma_start3A_321, %dma_start3A_322] : memref<4x2x80xi32, #tpu.memory_space<vmem>> -> memref<1x1x80xi32, #tpu.memory_space<vmem>>
        %dma_start3A_324 = tpu.memref_squeeze %dma_start3A_323 : memref<1x1x80xi32, #tpu.memory_space<vmem>> -> memref<80xi32, #tpu.memory_space<vmem>>
        %dma_start3A_325 = arith.constant 0 : i32
        %dma_start3A_326 = arith.constant 0 : i32
        %dma_start3A_327 = tpu.memref_slice %arg4[%dma_start3A_325, %dma_start3A_326] : memref<100000x128xf32, #tpu.memory_space<hbm>> -> memref<100000x128xf32, #tpu.memory_space<hbm>>
        tpu.enqueue_indirect_dma source(%dma_start3A_327 : memref<100000x128xf32, #tpu.memory_space<hbm>>) target(%arg10 : memref<80x128xf32, #tpu.memory_space<vmem>>) offsets(%dma_start3A_324 : memref<80xi32, #tpu.memory_space<vmem>>) semaphore(%arg13 : memref<!tpu.dma_semaphore, #tpu.memory_space<semaphore_mem>>)
      } else {
      }
      %dma_wait3A_215 = arith.constant 1 : i32
      %dma_wait3A_216 = arith.constant 0 : i32
      %dma_wait3A_217 = arith.constant 0 : i32
      %dma_wait3A_218 = tpu.memref_slice %arg9[%dma_wait3A_215, %dma_wait3A_216, %dma_wait3A_217] : memref<4x2x80xi32, #tpu.memory_space<vmem>> -> memref<1x1x80xi32, #tpu.memory_space<vmem>>
      %dma_wait3A_219 = tpu.memref_squeeze %dma_wait3A_218 : memref<1x1x80xi32, #tpu.memory_space<vmem>> -> memref<80xi32, #tpu.memory_space<vmem>>
      %dma_wait3A_220 = arith.constant 0 : i32
      %dma_wait3A_221 = arith.constant 0 : i32
      %dma_wait3A_222 = tpu.memref_slice %arg4[%dma_wait3A_220, %dma_wait3A_221] : memref<100000x128xf32, #tpu.memory_space<hbm>> -> memref<100000x128xf32, #tpu.memory_space<hbm>>
      tpu.wait_indirect_dma semaphore(%arg14 : memref<!tpu.dma_semaphore, #tpu.memory_space<semaphore_mem>>) src(%dma_wait3A_222 : memref<100000x128xf32, #tpu.memory_space<hbm>>) dst(%arg11 : memref<80x128xf32, #tpu.memory_space<vmem>>)
      %run_scoped3A_223 = arith.constant 1 : i32
      %run_scoped3A_224 = arith.constant 1 : i32
      "tpu.region"() ({
        %run_scoped3A_299 = tpu.sem_alloc : memref<!tpu.dma_semaphore, #tpu.memory_space<semaphore_mem>>
        %dma_start3A_300 = arith.constant 0 : i32
        %dma_start3A_301 = tpu.memref_slice %arg9[%run_scoped3A_223, %run_scoped3A_224, %dma_start3A_300] : memref<4x2x80xi32, #tpu.memory_space<vmem>> -> memref<1x1x80xi32, #tpu.memory_space<vmem>>
        %dma_start3A_302 = tpu.memref_squeeze %dma_start3A_301 : memref<1x1x80xi32, #tpu.memory_space<vmem>> -> memref<80xi32, #tpu.memory_space<vmem>>
        %dma_start3A_303 = arith.constant 0 : i32
        %dma_start3A_304 = arith.constant 0 : i32
        %dma_start3A_305 = tpu.memref_slice %arg12[%dma_start3A_303, %dma_start3A_304] : memref<10240x128xf32, #tpu.memory_space<vmem_shared>> -> memref<10240x128xf32, #tpu.memory_space<vmem_shared>>
        tpu.enqueue_indirect_dma source(%arg11 : memref<80x128xf32, #tpu.memory_space<vmem>>) target(%dma_start3A_305 : memref<10240x128xf32, #tpu.memory_space<vmem_shared>>) offsets(%dma_start3A_302 : memref<80xi32, #tpu.memory_space<vmem>>) semaphore(%run_scoped3A_299 : memref<!tpu.dma_semaphore, #tpu.memory_space<semaphore_mem>>) {add = true}
        %dma_wait3A_306 = arith.constant 0 : i32
        %dma_wait3A_307 = tpu.memref_slice %arg9[%run_scoped3A_223, %run_scoped3A_224, %dma_wait3A_306] : memref<4x2x80xi32, #tpu.memory_space<vmem>> -> memref<1x1x80xi32, #tpu.memory_space<vmem>>
        %dma_wait3A_308 = tpu.memref_squeeze %dma_wait3A_307 : memref<1x1x80xi32, #tpu.memory_space<vmem>> -> memref<80xi32, #tpu.memory_space<vmem>>
        %dma_wait3A_309 = arith.constant 0 : i32
        %dma_wait3A_310 = arith.constant 0 : i32
        %dma_wait3A_311 = tpu.memref_slice %arg12[%dma_wait3A_309, %dma_wait3A_310] : memref<10240x128xf32, #tpu.memory_space<vmem_shared>> -> memref<10240x128xf32, #tpu.memory_space<vmem_shared>>
        tpu.wait_indirect_dma semaphore(%run_scoped3A_299 : memref<!tpu.dma_semaphore, #tpu.memory_space<semaphore_mem>>) src(%arg11 : memref<80x128xf32, #tpu.memory_space<vmem>>) dst(%dma_wait3A_311 : memref<10240x128xf32, #tpu.memory_space<vmem_shared>>)
        tpu.yield
      }) : () -> ()
      %add3A_225 = arith.constant 1 : i32
      %add3A_226 = arith.addi %add3A_189, %add3A_225 : i32
      %add3A_227 = arith.constant 4 : i32
      %add3A_228 = arith.addi %add3A_226, %add3A_227 : i32
      %lt3A_229 = arith.constant 128 : i32
      %lt3A_230 = arith.cmpi slt, %add3A_228, %lt3A_229 : i32
      %convert_element_type3A_231 = arith.extui %lt3A_230 : i1 to i32
      %cond3A_232 = arith.constant 0 : i32
      %cond3A_233 = arith.cmpi ne, %convert_element_type3A_231, %cond3A_232 : i32
      scf.if %cond3A_233 {
        %add3A_299 = arith.constant 1 : i32
        %add3A_300 = arith.addi %add3A_189, %add3A_299 : i32
        %add3A_301 = arith.constant 4 : i32
        %add3A_302 = arith.addi %add3A_300, %add3A_301 : i32
        %dma_start3A_303 = arith.constant 1 : i32
        %dma_start3A_304 = arith.constant 0 : i32
        %dma_start3A_305 = arith.constant 0 : i32
        %dma_start3A_306 = tpu.memref_slice %arg9[%dma_start3A_303, %dma_start3A_304, %dma_start3A_305] : memref<4x2x80xi32, #tpu.memory_space<vmem>> -> memref<1x2x80xi32, #tpu.memory_space<vmem>>
        %dma_start3A_307 = tpu.memref_squeeze %dma_start3A_306 : memref<1x2x80xi32, #tpu.memory_space<vmem>> -> memref<2x80xi32, #tpu.memory_space<vmem>>
        %dma_start3A_308 = arith.constant 0 : i32
        %dma_start3A_309 = arith.constant 0 : i32
        %dma_start3A_310 = tpu.memref_slice %arg5[%add3A, %add3A_302, %dma_start3A_308, %dma_start3A_309] : memref<32x128x2x80xi32, #tpu.memory_space<hbm>> -> memref<1x1x2x80xi32, #tpu.memory_space<hbm>>
        %dma_start3A_311 = tpu.memref_squeeze %dma_start3A_310 : memref<1x1x2x80xi32, #tpu.memory_space<hbm>> -> memref<2x80xi32, #tpu.memory_space<hbm>>
        %dma_start3A_312 = arith.constant 0 : i32
        %dma_start3A_313 = arith.constant 0 : i32
        %dma_start3A_314 = tpu.memref_slice %arg9[%dma_start3A_303, %dma_start3A_312, %dma_start3A_313] : memref<4x2x80xi32, #tpu.memory_space<vmem>> -> memref<1x2x80xi32, #tpu.memory_space<vmem>>
        %dma_start3A_315 = tpu.memref_squeeze %dma_start3A_314 : memref<1x2x80xi32, #tpu.memory_space<vmem>> -> memref<2x80xi32, #tpu.memory_space<vmem>>
        %dma_start3A_316 = arith.constant 0 : i32
        %dma_start3A_317 = arith.constant 0 : i32
        %dma_start3A_318 = tpu.memref_slice %arg5[%add3A, %add3A_302, %dma_start3A_316, %dma_start3A_317] : memref<32x128x2x80xi32, #tpu.memory_space<hbm>> -> memref<1x1x2x80xi32, #tpu.memory_space<hbm>>
        %dma_start3A_319 = tpu.memref_squeeze %dma_start3A_318 : memref<1x1x2x80xi32, #tpu.memory_space<hbm>> -> memref<2x80xi32, #tpu.memory_space<hbm>>
        tpu.enqueue_dma source(%dma_start3A_319 : memref<2x80xi32, #tpu.memory_space<hbm>>) target(%dma_start3A_315 : memref<2x80xi32, #tpu.memory_space<vmem>>) target_semaphore(%arg15 : memref<!tpu.dma_semaphore, #tpu.memory_space<semaphore_mem>>)
      } else {
      }
      %add3A_234 = arith.constant 1 : i32
      %add3A_235 = arith.addi %add3A_189, %add3A_234 : i32
      %add3A_236 = arith.constant 2 : i32
      %add3A_237 = arith.addi %add3A_235, %add3A_236 : i32
      %lt3A_238 = arith.constant 128 : i32
      %lt3A_239 = arith.cmpi slt, %add3A_237, %lt3A_238 : i32
      %convert_element_type3A_240 = arith.extui %lt3A_239 : i1 to i32
      %cond3A_241 = arith.constant 0 : i32
      %cond3A_242 = arith.cmpi ne, %convert_element_type3A_240, %cond3A_241 : i32
      scf.if %cond3A_242 {
        %add3A_299 = arith.constant 1 : i32
        %add3A_300 = arith.addi %add3A_189, %add3A_299 : i32
        %add3A_301 = arith.constant 2 : i32
        %add3A_302 = arith.addi %add3A_300, %add3A_301 : i32
        %dma_wait3A_303 = arith.constant 3 : i32
        %dma_wait3A_304 = arith.constant 0 : i32
        %dma_wait3A_305 = arith.constant 0 : i32
        %dma_wait3A_306 = tpu.memref_slice %arg9[%dma_wait3A_303, %dma_wait3A_304, %dma_wait3A_305] : memref<4x2x80xi32, #tpu.memory_space<vmem>> -> memref<1x2x80xi32, #tpu.memory_space<vmem>>
        %dma_wait3A_307 = tpu.memref_squeeze %dma_wait3A_306 : memref<1x2x80xi32, #tpu.memory_space<vmem>> -> memref<2x80xi32, #tpu.memory_space<vmem>>
        %dma_wait3A_308 = arith.constant 0 : i32
        %dma_wait3A_309 = arith.constant 0 : i32
        %dma_wait3A_310 = tpu.memref_slice %arg5[%add3A, %add3A_302, %dma_wait3A_308, %dma_wait3A_309] : memref<32x128x2x80xi32, #tpu.memory_space<hbm>> -> memref<1x1x2x80xi32, #tpu.memory_space<hbm>>
        %dma_wait3A_311 = tpu.memref_squeeze %dma_wait3A_310 : memref<1x1x2x80xi32, #tpu.memory_space<hbm>> -> memref<2x80xi32, #tpu.memory_space<hbm>>
        %dma_wait3A_312 = arith.constant 0 : i32
        %dma_wait3A_313 = arith.constant 0 : i32
        %dma_wait3A_314 = tpu.memref_slice %arg9[%dma_wait3A_303, %dma_wait3A_312, %dma_wait3A_313] : memref<4x2x80xi32, #tpu.memory_space<vmem>> -> memref<1x2x80xi32, #tpu.memory_space<vmem>>
        %dma_wait3A_315 = tpu.memref_squeeze %dma_wait3A_314 : memref<1x2x80xi32, #tpu.memory_space<vmem>> -> memref<2x80xi32, #tpu.memory_space<vmem>>
        %dma_wait3A_316 = arith.constant 0 : i32
        %dma_wait3A_317 = arith.constant 0 : i32
        %dma_wait3A_318 = tpu.memref_slice %arg5[%add3A, %add3A_302, %dma_wait3A_316, %dma_wait3A_317] : memref<32x128x2x80xi32, #tpu.memory_space<hbm>> -> memref<1x1x2x80xi32, #tpu.memory_space<hbm>>
        %dma_wait3A_319 = tpu.memref_squeeze %dma_wait3A_318 : memref<1x1x2x80xi32, #tpu.memory_space<hbm>> -> memref<2x80xi32, #tpu.memory_space<hbm>>
        tpu.wait_dma2 semaphore(%arg15 : memref<!tpu.dma_semaphore, #tpu.memory_space<semaphore_mem>>) src(%dma_wait3A_319 : memref<2x80xi32, #tpu.memory_space<hbm>>) dst(%dma_wait3A_315 : memref<2x80xi32, #tpu.memory_space<vmem>>)
        %dma_start3A_320 = arith.constant 3 : i32
        %dma_start3A_321 = arith.constant 0 : i32
        %dma_start3A_322 = arith.constant 0 : i32
        %dma_start3A_323 = tpu.memref_slice %arg9[%dma_start3A_320, %dma_start3A_321, %dma_start3A_322] : memref<4x2x80xi32, #tpu.memory_space<vmem>> -> memref<1x1x80xi32, #tpu.memory_space<vmem>>
        %dma_start3A_324 = tpu.memref_squeeze %dma_start3A_323 : memref<1x1x80xi32, #tpu.memory_space<vmem>> -> memref<80xi32, #tpu.memory_space<vmem>>
        %dma_start3A_325 = arith.constant 0 : i32
        %dma_start3A_326 = arith.constant 0 : i32
        %dma_start3A_327 = tpu.memref_slice %arg4[%dma_start3A_325, %dma_start3A_326] : memref<100000x128xf32, #tpu.memory_space<hbm>> -> memref<100000x128xf32, #tpu.memory_space<hbm>>
        tpu.enqueue_indirect_dma source(%dma_start3A_327 : memref<100000x128xf32, #tpu.memory_space<hbm>>) target(%arg11 : memref<80x128xf32, #tpu.memory_space<vmem>>) offsets(%dma_start3A_324 : memref<80xi32, #tpu.memory_space<vmem>>) semaphore(%arg14 : memref<!tpu.dma_semaphore, #tpu.memory_space<semaphore_mem>>)
      } else {
      }
      %dma_wait3A_243 = arith.constant 2 : i32
      %dma_wait3A_244 = arith.constant 0 : i32
      %dma_wait3A_245 = arith.constant 0 : i32
      %dma_wait3A_246 = tpu.memref_slice %arg9[%dma_wait3A_243, %dma_wait3A_244, %dma_wait3A_245] : memref<4x2x80xi32, #tpu.memory_space<vmem>> -> memref<1x1x80xi32, #tpu.memory_space<vmem>>
      %dma_wait3A_247 = tpu.memref_squeeze %dma_wait3A_246 : memref<1x1x80xi32, #tpu.memory_space<vmem>> -> memref<80xi32, #tpu.memory_space<vmem>>
      %dma_wait3A_248 = arith.constant 0 : i32
      %dma_wait3A_249 = arith.constant 0 : i32
      %dma_wait3A_250 = tpu.memref_slice %arg4[%dma_wait3A_248, %dma_wait3A_249] : memref<100000x128xf32, #tpu.memory_space<hbm>> -> memref<100000x128xf32, #tpu.memory_space<hbm>>
      tpu.wait_indirect_dma semaphore(%arg13 : memref<!tpu.dma_semaphore, #tpu.memory_space<semaphore_mem>>) src(%dma_wait3A_250 : memref<100000x128xf32, #tpu.memory_space<hbm>>) dst(%arg10 : memref<80x128xf32, #tpu.memory_space<vmem>>)
      %run_scoped3A_251 = arith.constant 2 : i32
      %run_scoped3A_252 = arith.constant 1 : i32
      "tpu.region"() ({
        %run_scoped3A_299 = tpu.sem_alloc : memref<!tpu.dma_semaphore, #tpu.memory_space<semaphore_mem>>
        %dma_start3A_300 = arith.constant 0 : i32
        %dma_start3A_301 = tpu.memref_slice %arg9[%run_scoped3A_251, %run_scoped3A_252, %dma_start3A_300] : memref<4x2x80xi32, #tpu.memory_space<vmem>> -> memref<1x1x80xi32, #tpu.memory_space<vmem>>
        %dma_start3A_302 = tpu.memref_squeeze %dma_start3A_301 : memref<1x1x80xi32, #tpu.memory_space<vmem>> -> memref<80xi32, #tpu.memory_space<vmem>>
        %dma_start3A_303 = arith.constant 0 : i32
        %dma_start3A_304 = arith.constant 0 : i32
        %dma_start3A_305 = tpu.memref_slice %arg12[%dma_start3A_303, %dma_start3A_304] : memref<10240x128xf32, #tpu.memory_space<vmem_shared>> -> memref<10240x128xf32, #tpu.memory_space<vmem_shared>>
        tpu.enqueue_indirect_dma source(%arg10 : memref<80x128xf32, #tpu.memory_space<vmem>>) target(%dma_start3A_305 : memref<10240x128xf32, #tpu.memory_space<vmem_shared>>) offsets(%dma_start3A_302 : memref<80xi32, #tpu.memory_space<vmem>>) semaphore(%run_scoped3A_299 : memref<!tpu.dma_semaphore, #tpu.memory_space<semaphore_mem>>) {add = true}
        %dma_wait3A_306 = arith.constant 0 : i32
        %dma_wait3A_307 = tpu.memref_slice %arg9[%run_scoped3A_251, %run_scoped3A_252, %dma_wait3A_306] : memref<4x2x80xi32, #tpu.memory_space<vmem>> -> memref<1x1x80xi32, #tpu.memory_space<vmem>>
        %dma_wait3A_308 = tpu.memref_squeeze %dma_wait3A_307 : memref<1x1x80xi32, #tpu.memory_space<vmem>> -> memref<80xi32, #tpu.memory_space<vmem>>
        %dma_wait3A_309 = arith.constant 0 : i32
        %dma_wait3A_310 = arith.constant 0 : i32
        %dma_wait3A_311 = tpu.memref_slice %arg12[%dma_wait3A_309, %dma_wait3A_310] : memref<10240x128xf32, #tpu.memory_space<vmem_shared>> -> memref<10240x128xf32, #tpu.memory_space<vmem_shared>>
        tpu.wait_indirect_dma semaphore(%run_scoped3A_299 : memref<!tpu.dma_semaphore, #tpu.memory_space<semaphore_mem>>) src(%arg10 : memref<80x128xf32, #tpu.memory_space<vmem>>) dst(%dma_wait3A_311 : memref<10240x128xf32, #tpu.memory_space<vmem_shared>>)
        tpu.yield
      }) : () -> ()
      %add3A_253 = arith.constant 2 : i32
      %add3A_254 = arith.addi %add3A_189, %add3A_253 : i32
      %add3A_255 = arith.constant 4 : i32
      %add3A_256 = arith.addi %add3A_254, %add3A_255 : i32
      %lt3A_257 = arith.constant 128 : i32
      %lt3A_258 = arith.cmpi slt, %add3A_256, %lt3A_257 : i32
      %convert_element_type3A_259 = arith.extui %lt3A_258 : i1 to i32
      %cond3A_260 = arith.constant 0 : i32
      %cond3A_261 = arith.cmpi ne, %convert_element_type3A_259, %cond3A_260 : i32
      scf.if %cond3A_261 {
        %add3A_299 = arith.constant 2 : i32
        %add3A_300 = arith.addi %add3A_189, %add3A_299 : i32
        %add3A_301 = arith.constant 4 : i32
        %add3A_302 = arith.addi %add3A_300, %add3A_301 : i32
        %dma_start3A_303 = arith.constant 2 : i32
        %dma_start3A_304 = arith.constant 0 : i32
        %dma_start3A_305 = arith.constant 0 : i32
        %dma_start3A_306 = tpu.memref_slice %arg9[%dma_start3A_303, %dma_start3A_304, %dma_start3A_305] : memref<4x2x80xi32, #tpu.memory_space<vmem>> -> memref<1x2x80xi32, #tpu.memory_space<vmem>>
        %dma_start3A_307 = tpu.memref_squeeze %dma_start3A_306 : memref<1x2x80xi32, #tpu.memory_space<vmem>> -> memref<2x80xi32, #tpu.memory_space<vmem>>
        %dma_start3A_308 = arith.constant 0 : i32
        %dma_start3A_309 = arith.constant 0 : i32
        %dma_start3A_310 = tpu.memref_slice %arg5[%add3A, %add3A_302, %dma_start3A_308, %dma_start3A_309] : memref<32x128x2x80xi32, #tpu.memory_space<hbm>> -> memref<1x1x2x80xi32, #tpu.memory_space<hbm>>
        %dma_start3A_311 = tpu.memref_squeeze %dma_start3A_310 : memref<1x1x2x80xi32, #tpu.memory_space<hbm>> -> memref<2x80xi32, #tpu.memory_space<hbm>>
        %dma_start3A_312 = arith.constant 0 : i32
        %dma_start3A_313 = arith.constant 0 : i32
        %dma_start3A_314 = tpu.memref_slice %arg9[%dma_start3A_303, %dma_start3A_312, %dma_start3A_313] : memref<4x2x80xi32, #tpu.memory_space<vmem>> -> memref<1x2x80xi32, #tpu.memory_space<vmem>>
        %dma_start3A_315 = tpu.memref_squeeze %dma_start3A_314 : memref<1x2x80xi32, #tpu.memory_space<vmem>> -> memref<2x80xi32, #tpu.memory_space<vmem>>
        %dma_start3A_316 = arith.constant 0 : i32
        %dma_start3A_317 = arith.constant 0 : i32
        %dma_start3A_318 = tpu.memref_slice %arg5[%add3A, %add3A_302, %dma_start3A_316, %dma_start3A_317] : memref<32x128x2x80xi32, #tpu.memory_space<hbm>> -> memref<1x1x2x80xi32, #tpu.memory_space<hbm>>
        %dma_start3A_319 = tpu.memref_squeeze %dma_start3A_318 : memref<1x1x2x80xi32, #tpu.memory_space<hbm>> -> memref<2x80xi32, #tpu.memory_space<hbm>>
        tpu.enqueue_dma source(%dma_start3A_319 : memref<2x80xi32, #tpu.memory_space<hbm>>) target(%dma_start3A_315 : memref<2x80xi32, #tpu.memory_space<vmem>>) target_semaphore(%arg15 : memref<!tpu.dma_semaphore, #tpu.memory_space<semaphore_mem>>)
      } else {
      }
      %add3A_262 = arith.constant 2 : i32
      %add3A_263 = arith.addi %add3A_189, %add3A_262 : i32
      %add3A_264 = arith.constant 2 : i32
      %add3A_265 = arith.addi %add3A_263, %add3A_264 : i32
      %lt3A_266 = arith.constant 128 : i32
      %lt3A_267 = arith.cmpi slt, %add3A_265, %lt3A_266 : i32
      %convert_element_type3A_268 = arith.extui %lt3A_267 : i1 to i32
      %cond3A_269 = arith.constant 0 : i32
      %cond3A_270 = arith.cmpi ne, %convert_element_type3A_268, %cond3A_269 : i32
      scf.if %cond3A_270 {
        %add3A_299 = arith.constant 2 : i32
        %add3A_300 = arith.addi %add3A_189, %add3A_299 : i32
        %add3A_301 = arith.constant 2 : i32
        %add3A_302 = arith.addi %add3A_300, %add3A_301 : i32
        %dma_wait3A_303 = arith.constant 0 : i32
        %dma_wait3A_304 = arith.constant 0 : i32
        %dma_wait3A_305 = arith.constant 0 : i32
        %dma_wait3A_306 = tpu.memref_slice %arg9[%dma_wait3A_303, %dma_wait3A_304, %dma_wait3A_305] : memref<4x2x80xi32, #tpu.memory_space<vmem>> -> memref<1x2x80xi32, #tpu.memory_space<vmem>>
        %dma_wait3A_307 = tpu.memref_squeeze %dma_wait3A_306 : memref<1x2x80xi32, #tpu.memory_space<vmem>> -> memref<2x80xi32, #tpu.memory_space<vmem>>
        %dma_wait3A_308 = arith.constant 0 : i32
        %dma_wait3A_309 = arith.constant 0 : i32
        %dma_wait3A_310 = tpu.memref_slice %arg5[%add3A, %add3A_302, %dma_wait3A_308, %dma_wait3A_309] : memref<32x128x2x80xi32, #tpu.memory_space<hbm>> -> memref<1x1x2x80xi32, #tpu.memory_space<hbm>>
        %dma_wait3A_311 = tpu.memref_squeeze %dma_wait3A_310 : memref<1x1x2x80xi32, #tpu.memory_space<hbm>> -> memref<2x80xi32, #tpu.memory_space<hbm>>
        %dma_wait3A_312 = arith.constant 0 : i32
        %dma_wait3A_313 = arith.constant 0 : i32
        %dma_wait3A_314 = tpu.memref_slice %arg9[%dma_wait3A_303, %dma_wait3A_312, %dma_wait3A_313] : memref<4x2x80xi32, #tpu.memory_space<vmem>> -> memref<1x2x80xi32, #tpu.memory_space<vmem>>
        %dma_wait3A_315 = tpu.memref_squeeze %dma_wait3A_314 : memref<1x2x80xi32, #tpu.memory_space<vmem>> -> memref<2x80xi32, #tpu.memory_space<vmem>>
        %dma_wait3A_316 = arith.constant 0 : i32
        %dma_wait3A_317 = arith.constant 0 : i32
        %dma_wait3A_318 = tpu.memref_slice %arg5[%add3A, %add3A_302, %dma_wait3A_316, %dma_wait3A_317] : memref<32x128x2x80xi32, #tpu.memory_space<hbm>> -> memref<1x1x2x80xi32, #tpu.memory_space<hbm>>
        %dma_wait3A_319 = tpu.memref_squeeze %dma_wait3A_318 : memref<1x1x2x80xi32, #tpu.memory_space<hbm>> -> memref<2x80xi32, #tpu.memory_space<hbm>>
        tpu.wait_dma2 semaphore(%arg15 : memref<!tpu.dma_semaphore, #tpu.memory_space<semaphore_mem>>) src(%dma_wait3A_319 : memref<2x80xi32, #tpu.memory_space<hbm>>) dst(%dma_wait3A_315 : memref<2x80xi32, #tpu.memory_space<vmem>>)
        %dma_start3A_320 = arith.constant 0 : i32
        %dma_start3A_321 = arith.constant 0 : i32
        %dma_start3A_322 = arith.constant 0 : i32
        %dma_start3A_323 = tpu.memref_slice %arg9[%dma_start3A_320, %dma_start3A_321, %dma_start3A_322] : memref<4x2x80xi32, #tpu.memory_space<vmem>> -> memref<1x1x80xi32, #tpu.memory_space<vmem>>
        %dma_start3A_324 = tpu.memref_squeeze %dma_start3A_323 : memref<1x1x80xi32, #tpu.memory_space<vmem>> -> memref<80xi32, #tpu.memory_space<vmem>>
        %dma_start3A_325 = arith.constant 0 : i32
        %dma_start3A_326 = arith.constant 0 : i32
        %dma_start3A_327 = tpu.memref_slice %arg4[%dma_start3A_325, %dma_start3A_326] : memref<100000x128xf32, #tpu.memory_space<hbm>> -> memref<100000x128xf32, #tpu.memory_space<hbm>>
        tpu.enqueue_indirect_dma source(%dma_start3A_327 : memref<100000x128xf32, #tpu.memory_space<hbm>>) target(%arg10 : memref<80x128xf32, #tpu.memory_space<vmem>>) offsets(%dma_start3A_324 : memref<80xi32, #tpu.memory_space<vmem>>) semaphore(%arg13 : memref<!tpu.dma_semaphore, #tpu.memory_space<semaphore_mem>>)
      } else {
      }
      %dma_wait3A_271 = arith.constant 3 : i32
      %dma_wait3A_272 = arith.constant 0 : i32
      %dma_wait3A_273 = arith.constant 0 : i32
      %dma_wait3A_274 = tpu.memref_slice %arg9[%dma_wait3A_271, %dma_wait3A_272, %dma_wait3A_273] : memref<4x2x80xi32, #tpu.memory_space<vmem>> -> memref<1x1x80xi32, #tpu.memory_space<vmem>>
      %dma_wait3A_275 = tpu.memref_squeeze %dma_wait3A_274 : memref<1x1x80xi32, #tpu.memory_space<vmem>> -> memref<80xi32, #tpu.memory_space<vmem>>
      %dma_wait3A_276 = arith.constant 0 : i32
      %dma_wait3A_277 = arith.constant 0 : i32
      %dma_wait3A_278 = tpu.memref_slice %arg4[%dma_wait3A_276, %dma_wait3A_277] : memref<100000x128xf32, #tpu.memory_space<hbm>> -> memref<100000x128xf32, #tpu.memory_space<hbm>>
      tpu.wait_indirect_dma semaphore(%arg14 : memref<!tpu.dma_semaphore, #tpu.memory_space<semaphore_mem>>) src(%dma_wait3A_278 : memref<100000x128xf32, #tpu.memory_space<hbm>>) dst(%arg11 : memref<80x128xf32, #tpu.memory_space<vmem>>)
      %run_scoped3A_279 = arith.constant 3 : i32
      %run_scoped3A_280 = arith.constant 1 : i32
      "tpu.region"() ({
        %run_scoped3A_299 = tpu.sem_alloc : memref<!tpu.dma_semaphore, #tpu.memory_space<semaphore_mem>>
        %dma_start3A_300 = arith.constant 0 : i32
        %dma_start3A_301 = tpu.memref_slice %arg9[%run_scoped3A_279, %run_scoped3A_280, %dma_start3A_300] : memref<4x2x80xi32, #tpu.memory_space<vmem>> -> memref<1x1x80xi32, #tpu.memory_space<vmem>>
        %dma_start3A_302 = tpu.memref_squeeze %dma_start3A_301 : memref<1x1x80xi32, #tpu.memory_space<vmem>> -> memref<80xi32, #tpu.memory_space<vmem>>
        %dma_start3A_303 = arith.constant 0 : i32
        %dma_start3A_304 = arith.constant 0 : i32
        %dma_start3A_305 = tpu.memref_slice %arg12[%dma_start3A_303, %dma_start3A_304] : memref<10240x128xf32, #tpu.memory_space<vmem_shared>> -> memref<10240x128xf32, #tpu.memory_space<vmem_shared>>
        tpu.enqueue_indirect_dma source(%arg11 : memref<80x128xf32, #tpu.memory_space<vmem>>) target(%dma_start3A_305 : memref<10240x128xf32, #tpu.memory_space<vmem_shared>>) offsets(%dma_start3A_302 : memref<80xi32, #tpu.memory_space<vmem>>) semaphore(%run_scoped3A_299 : memref<!tpu.dma_semaphore, #tpu.memory_space<semaphore_mem>>) {add = true}
        %dma_wait3A_306 = arith.constant 0 : i32
        %dma_wait3A_307 = tpu.memref_slice %arg9[%run_scoped3A_279, %run_scoped3A_280, %dma_wait3A_306] : memref<4x2x80xi32, #tpu.memory_space<vmem>> -> memref<1x1x80xi32, #tpu.memory_space<vmem>>
        %dma_wait3A_308 = tpu.memref_squeeze %dma_wait3A_307 : memref<1x1x80xi32, #tpu.memory_space<vmem>> -> memref<80xi32, #tpu.memory_space<vmem>>
        %dma_wait3A_309 = arith.constant 0 : i32
        %dma_wait3A_310 = arith.constant 0 : i32
        %dma_wait3A_311 = tpu.memref_slice %arg12[%dma_wait3A_309, %dma_wait3A_310] : memref<10240x128xf32, #tpu.memory_space<vmem_shared>> -> memref<10240x128xf32, #tpu.memory_space<vmem_shared>>
        tpu.wait_indirect_dma semaphore(%run_scoped3A_299 : memref<!tpu.dma_semaphore, #tpu.memory_space<semaphore_mem>>) src(%arg11 : memref<80x128xf32, #tpu.memory_space<vmem>>) dst(%dma_wait3A_311 : memref<10240x128xf32, #tpu.memory_space<vmem_shared>>)
        tpu.yield
      }) : () -> ()
      %add3A_281 = arith.constant 3 : i32
      %add3A_282 = arith.addi %add3A_189, %add3A_281 : i32
      %add3A_283 = arith.constant 4 : i32
      %add3A_284 = arith.addi %add3A_282, %add3A_283 : i32
      %lt3A_285 = arith.constant 128 : i32
      %lt3A_286 = arith.cmpi slt, %add3A_284, %lt3A_285 : i32
      %convert_element_type3A_287 = arith.extui %lt3A_286 : i1 to i32
      %cond3A_288 = arith.constant 0 : i32
      %cond3A_289 = arith.cmpi ne, %convert_element_type3A_287, %cond3A_288 : i32
      scf.if %cond3A_289 {
        %add3A_299 = arith.constant 3 : i32
        %add3A_300 = arith.addi %add3A_189, %add3A_299 : i32
        %add3A_301 = arith.constant 4 : i32
        %add3A_302 = arith.addi %add3A_300, %add3A_301 : i32
        %dma_start3A_303 = arith.constant 3 : i32
        %dma_start3A_304 = arith.constant 0 : i32
        %dma_start3A_305 = arith.constant 0 : i32
        %dma_start3A_306 = tpu.memref_slice %arg9[%dma_start3A_303, %dma_start3A_304, %dma_start3A_305] : memref<4x2x80xi32, #tpu.memory_space<vmem>> -> memref<1x2x80xi32, #tpu.memory_space<vmem>>
        %dma_start3A_307 = tpu.memref_squeeze %dma_start3A_306 : memref<1x2x80xi32, #tpu.memory_space<vmem>> -> memref<2x80xi32, #tpu.memory_space<vmem>>
        %dma_start3A_308 = arith.constant 0 : i32
        %dma_start3A_309 = arith.constant 0 : i32
        %dma_start3A_310 = tpu.memref_slice %arg5[%add3A, %add3A_302, %dma_start3A_308, %dma_start3A_309] : memref<32x128x2x80xi32, #tpu.memory_space<hbm>> -> memref<1x1x2x80xi32, #tpu.memory_space<hbm>>
        %dma_start3A_311 = tpu.memref_squeeze %dma_start3A_310 : memref<1x1x2x80xi32, #tpu.memory_space<hbm>> -> memref<2x80xi32, #tpu.memory_space<hbm>>
        %dma_start3A_312 = arith.constant 0 : i32
        %dma_start3A_313 = arith.constant 0 : i32
        %dma_start3A_314 = tpu.memref_slice %arg9[%dma_start3A_303, %dma_start3A_312, %dma_start3A_313] : memref<4x2x80xi32, #tpu.memory_space<vmem>> -> memref<1x2x80xi32, #tpu.memory_space<vmem>>
        %dma_start3A_315 = tpu.memref_squeeze %dma_start3A_314 : memref<1x2x80xi32, #tpu.memory_space<vmem>> -> memref<2x80xi32, #tpu.memory_space<vmem>>
        %dma_start3A_316 = arith.constant 0 : i32
        %dma_start3A_317 = arith.constant 0 : i32
        %dma_start3A_318 = tpu.memref_slice %arg5[%add3A, %add3A_302, %dma_start3A_316, %dma_start3A_317] : memref<32x128x2x80xi32, #tpu.memory_space<hbm>> -> memref<1x1x2x80xi32, #tpu.memory_space<hbm>>
        %dma_start3A_319 = tpu.memref_squeeze %dma_start3A_318 : memref<1x1x2x80xi32, #tpu.memory_space<hbm>> -> memref<2x80xi32, #tpu.memory_space<hbm>>
        tpu.enqueue_dma source(%dma_start3A_319 : memref<2x80xi32, #tpu.memory_space<hbm>>) target(%dma_start3A_315 : memref<2x80xi32, #tpu.memory_space<vmem>>) target_semaphore(%arg15 : memref<!tpu.dma_semaphore, #tpu.memory_space<semaphore_mem>>)
      } else {
      }
      %add3A_290 = arith.constant 3 : i32
      %add3A_291 = arith.addi %add3A_189, %add3A_290 : i32
      %add3A_292 = arith.constant 2 : i32
      %add3A_293 = arith.addi %add3A_291, %add3A_292 : i32
      %lt3A_294 = arith.constant 128 : i32
      %lt3A_295 = arith.cmpi slt, %add3A_293, %lt3A_294 : i32
      %convert_element_type3A_296 = arith.extui %lt3A_295 : i1 to i32
      %cond3A_297 = arith.constant 0 : i32
      %cond3A_298 = arith.cmpi ne, %convert_element_type3A_296, %cond3A_297 : i32
      scf.if %cond3A_298 {
        %add3A_299 = arith.constant 3 : i32
        %add3A_300 = arith.addi %add3A_189, %add3A_299 : i32
        %add3A_301 = arith.constant 2 : i32
        %add3A_302 = arith.addi %add3A_300, %add3A_301 : i32
        %dma_wait3A_303 = arith.constant 1 : i32
        %dma_wait3A_304 = arith.constant 0 : i32
        %dma_wait3A_305 = arith.constant 0 : i32
        %dma_wait3A_306 = tpu.memref_slice %arg9[%dma_wait3A_303, %dma_wait3A_304, %dma_wait3A_305] : memref<4x2x80xi32, #tpu.memory_space<vmem>> -> memref<1x2x80xi32, #tpu.memory_space<vmem>>
        %dma_wait3A_307 = tpu.memref_squeeze %dma_wait3A_306 : memref<1x2x80xi32, #tpu.memory_space<vmem>> -> memref<2x80xi32, #tpu.memory_space<vmem>>
        %dma_wait3A_308 = arith.constant 0 : i32
        %dma_wait3A_309 = arith.constant 0 : i32
        %dma_wait3A_310 = tpu.memref_slice %arg5[%add3A, %add3A_302, %dma_wait3A_308, %dma_wait3A_309] : memref<32x128x2x80xi32, #tpu.memory_space<hbm>> -> memref<1x1x2x80xi32, #tpu.memory_space<hbm>>
        %dma_wait3A_311 = tpu.memref_squeeze %dma_wait3A_310 : memref<1x1x2x80xi32, #tpu.memory_space<hbm>> -> memref<2x80xi32, #tpu.memory_space<hbm>>
        %dma_wait3A_312 = arith.constant 0 : i32
        %dma_wait3A_313 = arith.constant 0 : i32
        %dma_wait3A_314 = tpu.memref_slice %arg9[%dma_wait3A_303, %dma_wait3A_312, %dma_wait3A_313] : memref<4x2x80xi32, #tpu.memory_space<vmem>> -> memref<1x2x80xi32, #tpu.memory_space<vmem>>
        %dma_wait3A_315 = tpu.memref_squeeze %dma_wait3A_314 : memref<1x2x80xi32, #tpu.memory_space<vmem>> -> memref<2x80xi32, #tpu.memory_space<vmem>>
        %dma_wait3A_316 = arith.constant 0 : i32
        %dma_wait3A_317 = arith.constant 0 : i32
        %dma_wait3A_318 = tpu.memref_slice %arg5[%add3A, %add3A_302, %dma_wait3A_316, %dma_wait3A_317] : memref<32x128x2x80xi32, #tpu.memory_space<hbm>> -> memref<1x1x2x80xi32, #tpu.memory_space<hbm>>
        %dma_wait3A_319 = tpu.memref_squeeze %dma_wait3A_318 : memref<1x1x2x80xi32, #tpu.memory_space<hbm>> -> memref<2x80xi32, #tpu.memory_space<hbm>>
        tpu.wait_dma2 semaphore(%arg15 : memref<!tpu.dma_semaphore, #tpu.memory_space<semaphore_mem>>) src(%dma_wait3A_319 : memref<2x80xi32, #tpu.memory_space<hbm>>) dst(%dma_wait3A_315 : memref<2x80xi32, #tpu.memory_space<vmem>>)
        %dma_start3A_320 = arith.constant 1 : i32
        %dma_start3A_321 = arith.constant 0 : i32
        %dma_start3A_322 = arith.constant 0 : i32
        %dma_start3A_323 = tpu.memref_slice %arg9[%dma_start3A_320, %dma_start3A_321, %dma_start3A_322] : memref<4x2x80xi32, #tpu.memory_space<vmem>> -> memref<1x1x80xi32, #tpu.memory_space<vmem>>
        %dma_start3A_324 = tpu.memref_squeeze %dma_start3A_323 : memref<1x1x80xi32, #tpu.memory_space<vmem>> -> memref<80xi32, #tpu.memory_space<vmem>>
        %dma_start3A_325 = arith.constant 0 : i32
        %dma_start3A_326 = arith.constant 0 : i32
        %dma_start3A_327 = tpu.memref_slice %arg4[%dma_start3A_325, %dma_start3A_326] : memref<100000x128xf32, #tpu.memory_space<hbm>> -> memref<100000x128xf32, #tpu.memory_space<hbm>>
        tpu.enqueue_indirect_dma source(%dma_start3A_327 : memref<100000x128xf32, #tpu.memory_space<hbm>>) target(%arg11 : memref<80x128xf32, #tpu.memory_space<vmem>>) offsets(%dma_start3A_324 : memref<80xi32, #tpu.memory_space<vmem>>) semaphore(%arg14 : memref<!tpu.dma_semaphore, #tpu.memory_space<semaphore_mem>>)
      } else {
      }
    }
    %scan3A_151 = arith.constant 32 : i32
    %barrier3A_152 = arith.constant 0 : index
    tpu.barrier barrier_id(%barrier3A_152)
    %mul3A_153 = arith.constant 640 : i32
    %mul3A_154 = arith.muli %arg1, %mul3A_153 : i32
    %add3A_155 = arith.constant 0 : i32
    %add3A_156 = arith.addi %mul3A_154, %add3A_155 : i32
    "tpu.region"() ({
      %run_scoped3A_185 = tpu.sem_alloc : memref<!tpu.dma_semaphore, #tpu.memory_space<semaphore_mem>>
      %dma_start3A_186 = arith.constant 0 : i32
      %dma_start3A_187 = tpu.memref_slice %arg12[%add3A_156, %dma_start3A_186] : memref<10240x128xf32, #tpu.memory_space<vmem_shared>> -> memref<80x128xf32, #tpu.memory_space<vmem_shared>>
      %dma_start3A_188 = arith.constant 0 : i32
      %dma_start3A_189 = tpu.memref_slice %arg12[%add3A_156, %dma_start3A_188] : memref<10240x128xf32, #tpu.memory_space<vmem_shared>> -> memref<80x128xf32, #tpu.memory_space<vmem_shared>>
      tpu.enqueue_dma source(%dma_start3A_189 : memref<80x128xf32, #tpu.memory_space<vmem_shared>>) target(%arg10 : memref<80x128xf32, #tpu.memory_space<vmem>>) target_semaphore(%run_scoped3A_185 : memref<!tpu.dma_semaphore, #tpu.memory_space<semaphore_mem>>)
      %dma_wait3A_190 = arith.constant 0 : i32
      %dma_wait3A_191 = tpu.memref_slice %arg12[%add3A_156, %dma_wait3A_190] : memref<10240x128xf32, #tpu.memory_space<vmem_shared>> -> memref<80x128xf32, #tpu.memory_space<vmem_shared>>
      %dma_wait3A_192 = arith.constant 0 : i32
      %dma_wait3A_193 = tpu.memref_slice %arg12[%add3A_156, %dma_wait3A_192] : memref<10240x128xf32, #tpu.memory_space<vmem_shared>> -> memref<80x128xf32, #tpu.memory_space<vmem_shared>>
      tpu.wait_dma2 semaphore(%run_scoped3A_185 : memref<!tpu.dma_semaphore, #tpu.memory_space<semaphore_mem>>) src(%dma_wait3A_193 : memref<80x128xf32, #tpu.memory_space<vmem_shared>>) dst(%arg10 : memref<80x128xf32, #tpu.memory_space<vmem>>)
      tpu.yield
    }) : () -> ()
    "tpu.region"() ({
      %run_scoped3A_185 = tpu.sem_alloc : memref<!tpu.dma_semaphore, #tpu.memory_space<semaphore_mem>>
      %dma_start3A_186 = arith.constant 0 : i32
      %dma_start3A_187 = tpu.memref_slice %arg7[%arg0, %add3A_156, %dma_start3A_186] : memref<2x10240x128xf32, #tpu.memory_space<hbm>> -> memref<1x80x128xf32, #tpu.memory_space<hbm>>
      %dma_start3A_188 = tpu.memref_squeeze %dma_start3A_187 : memref<1x80x128xf32, #tpu.memory_space<hbm>> -> memref<80x128xf32, #tpu.memory_space<hbm>>
      %dma_start3A_189 = arith.constant 0 : i32
      %dma_start3A_190 = tpu.memref_slice %arg7[%arg0, %add3A_156, %dma_start3A_189] : memref<2x10240x128xf32, #tpu.memory_space<hbm>> -> memref<1x80x128xf32, #tpu.memory_space<hbm>>
      %dma_start3A_191 = tpu.memref_squeeze %dma_start3A_190 : memref<1x80x128xf32, #tpu.memory_space<hbm>> -> memref<80x128xf32, #tpu.memory_space<hbm>>
      tpu.enqueue_dma source(%arg10 : memref<80x128xf32, #tpu.memory_space<vmem>>) target(%dma_start3A_191 : memref<80x128xf32, #tpu.memory_space<hbm>>) target_semaphore(%run_scoped3A_185 : memref<!tpu.dma_semaphore, #tpu.memory_space<semaphore_mem>>)
      %dma_wait3A_192 = arith.constant 0 : i32
      %dma_wait3A_193 = tpu.memref_slice %arg7[%arg0, %add3A_156, %dma_wait3A_192] : memref<2x10240x128xf32, #tpu.memory_space<hbm>> -> memref<1x80x128xf32, #tpu.memory_space<hbm>>
      %dma_wait3A_194 = tpu.memref_squeeze %dma_wait3A_193 : memref<1x80x128xf32, #tpu.memory_space<hbm>> -> memref<80x128xf32, #tpu.memory_space<hbm>>
      %dma_wait3A_195 = arith.constant 0 : i32
      %dma_wait3A_196 = tpu.memref_slice %arg7[%arg0, %add3A_156, %dma_wait3A_195] : memref<2x10240x128xf32, #tpu.memory_space<hbm>> -> memref<1x80x128xf32, #tpu.memory_space<hbm>>
      %dma_wait3A_197 = tpu.memref_squeeze %dma_wait3A_196 : memref<1x80x128xf32, #tpu.memory_space<hbm>> -> memref<80x128xf32, #tpu.memory_space<hbm>>
      tpu.wait_dma2 semaphore(%run_scoped3A_185 : memref<!tpu.dma_semaphore, #tpu.memory_space<semaphore_mem>>) src(%arg10 : memref<80x128xf32, #tpu.memory_space<vmem>>) dst(%dma_wait3A_197 : memref<80x128xf32, #tpu.memory_space<hbm>>)
      tpu.yield
    }) : () -> ()
    %mul3A_157 = arith.constant 640 : i32
    %mul3A_158 = arith.muli %arg1, %mul3A_157 : i32
    %add3A_159 = arith.constant 80 : i32
    %add3A_160 = arith.addi %mul3A_158, %add3A_159 : i32
    "tpu.region"() ({
      %run_scoped3A_185 = tpu.sem_alloc : memref<!tpu.dma_semaphore, #tpu.memory_space<semaphore_mem>>
      %dma_start3A_186 = arith.constant 0 : i32
      %dma_start3A_187 = tpu.memref_slice %arg12[%add3A_160, %dma_start3A_186] : memref<10240x128xf32, #tpu.memory_space<vmem_shared>> -> memref<80x128xf32, #tpu.memory_space<vmem_shared>>
      %dma_start3A_188 = arith.constant 0 : i32
      %dma_start3A_189 = tpu.memref_slice %arg12[%add3A_160, %dma_start3A_188] : memref<10240x128xf32, #tpu.memory_space<vmem_shared>> -> memref<80x128xf32, #tpu.memory_space<vmem_shared>>
      tpu.enqueue_dma source(%dma_start3A_189 : memref<80x128xf32, #tpu.memory_space<vmem_shared>>) target(%arg10 : memref<80x128xf32, #tpu.memory_space<vmem>>) target_semaphore(%run_scoped3A_185 : memref<!tpu.dma_semaphore, #tpu.memory_space<semaphore_mem>>)
      %dma_wait3A_190 = arith.constant 0 : i32
      %dma_wait3A_191 = tpu.memref_slice %arg12[%add3A_160, %dma_wait3A_190] : memref<10240x128xf32, #tpu.memory_space<vmem_shared>> -> memref<80x128xf32, #tpu.memory_space<vmem_shared>>
      %dma_wait3A_192 = arith.constant 0 : i32
      %dma_wait3A_193 = tpu.memref_slice %arg12[%add3A_160, %dma_wait3A_192] : memref<10240x128xf32, #tpu.memory_space<vmem_shared>> -> memref<80x128xf32, #tpu.memory_space<vmem_shared>>
      tpu.wait_dma2 semaphore(%run_scoped3A_185 : memref<!tpu.dma_semaphore, #tpu.memory_space<semaphore_mem>>) src(%dma_wait3A_193 : memref<80x128xf32, #tpu.memory_space<vmem_shared>>) dst(%arg10 : memref<80x128xf32, #tpu.memory_space<vmem>>)
      tpu.yield
    }) : () -> ()
    "tpu.region"() ({
      %run_scoped3A_185 = tpu.sem_alloc : memref<!tpu.dma_semaphore, #tpu.memory_space<semaphore_mem>>
      %dma_start3A_186 = arith.constant 0 : i32
      %dma_start3A_187 = tpu.memref_slice %arg7[%arg0, %add3A_160, %dma_start3A_186] : memref<2x10240x128xf32, #tpu.memory_space<hbm>> -> memref<1x80x128xf32, #tpu.memory_space<hbm>>
      %dma_start3A_188 = tpu.memref_squeeze %dma_start3A_187 : memref<1x80x128xf32, #tpu.memory_space<hbm>> -> memref<80x128xf32, #tpu.memory_space<hbm>>
      %dma_start3A_189 = arith.constant 0 : i32
      %dma_start3A_190 = tpu.memref_slice %arg7[%arg0, %add3A_160, %dma_start3A_189] : memref<2x10240x128xf32, #tpu.memory_space<hbm>> -> memref<1x80x128xf32, #tpu.memory_space<hbm>>
      %dma_start3A_191 = tpu.memref_squeeze %dma_start3A_190 : memref<1x80x128xf32, #tpu.memory_space<hbm>> -> memref<80x128xf32, #tpu.memory_space<hbm>>
      tpu.enqueue_dma source(%arg10 : memref<80x128xf32, #tpu.memory_space<vmem>>) target(%dma_start3A_191 : memref<80x128xf32, #tpu.memory_space<hbm>>) target_semaphore(%run_scoped3A_185 : memref<!tpu.dma_semaphore, #tpu.memory_space<semaphore_mem>>)
      %dma_wait3A_192 = arith.constant 0 : i32
      %dma_wait3A_193 = tpu.memref_slice %arg7[%arg0, %add3A_160, %dma_wait3A_192] : memref<2x10240x128xf32, #tpu.memory_space<hbm>> -> memref<1x80x128xf32, #tpu.memory_space<hbm>>
      %dma_wait3A_194 = tpu.memref_squeeze %dma_wait3A_193 : memref<1x80x128xf32, #tpu.memory_space<hbm>> -> memref<80x128xf32, #tpu.memory_space<hbm>>
      %dma_wait3A_195 = arith.constant 0 : i32
      %dma_wait3A_196 = tpu.memref_slice %arg7[%arg0, %add3A_160, %dma_wait3A_195] : memref<2x10240x128xf32, #tpu.memory_space<hbm>> -> memref<1x80x128xf32, #tpu.memory_space<hbm>>
      %dma_wait3A_197 = tpu.memref_squeeze %dma_wait3A_196 : memref<1x80x128xf32, #tpu.memory_space<hbm>> -> memref<80x128xf32, #tpu.memory_space<hbm>>
      tpu.wait_dma2 semaphore(%run_scoped3A_185 : memref<!tpu.dma_semaphore, #tpu.memory_space<semaphore_mem>>) src(%arg10 : memref<80x128xf32, #tpu.memory_space<vmem>>) dst(%dma_wait3A_197 : memref<80x128xf32, #tpu.memory_space<hbm>>)
      tpu.yield
    }) : () -> ()
    %mul3A_161 = arith.constant 640 : i32
    %mul3A_162 = arith.muli %arg1, %mul3A_161 : i32
    %add3A_163 = arith.constant 160 : i32
    %add3A_164 = arith.addi %mul3A_162, %add3A_163 : i32
    "tpu.region"() ({
      %run_scoped3A_185 = tpu.sem_alloc : memref<!tpu.dma_semaphore, #tpu.memory_space<semaphore_mem>>
      %dma_start3A_186 = arith.constant 0 : i32
      %dma_start3A_187 = tpu.memref_slice %arg12[%add3A_164, %dma_start3A_186] : memref<10240x128xf32, #tpu.memory_space<vmem_shared>> -> memref<80x128xf32, #tpu.memory_space<vmem_shared>>
      %dma_start3A_188 = arith.constant 0 : i32
      %dma_start3A_189 = tpu.memref_slice %arg12[%add3A_164, %dma_start3A_188] : memref<10240x128xf32, #tpu.memory_space<vmem_shared>> -> memref<80x128xf32, #tpu.memory_space<vmem_shared>>
      tpu.enqueue_dma source(%dma_start3A_189 : memref<80x128xf32, #tpu.memory_space<vmem_shared>>) target(%arg10 : memref<80x128xf32, #tpu.memory_space<vmem>>) target_semaphore(%run_scoped3A_185 : memref<!tpu.dma_semaphore, #tpu.memory_space<semaphore_mem>>)
      %dma_wait3A_190 = arith.constant 0 : i32
      %dma_wait3A_191 = tpu.memref_slice %arg12[%add3A_164, %dma_wait3A_190] : memref<10240x128xf32, #tpu.memory_space<vmem_shared>> -> memref<80x128xf32, #tpu.memory_space<vmem_shared>>
      %dma_wait3A_192 = arith.constant 0 : i32
      %dma_wait3A_193 = tpu.memref_slice %arg12[%add3A_164, %dma_wait3A_192] : memref<10240x128xf32, #tpu.memory_space<vmem_shared>> -> memref<80x128xf32, #tpu.memory_space<vmem_shared>>
      tpu.wait_dma2 semaphore(%run_scoped3A_185 : memref<!tpu.dma_semaphore, #tpu.memory_space<semaphore_mem>>) src(%dma_wait3A_193 : memref<80x128xf32, #tpu.memory_space<vmem_shared>>) dst(%arg10 : memref<80x128xf32, #tpu.memory_space<vmem>>)
      tpu.yield
    }) : () -> ()
    "tpu.region"() ({
      %run_scoped3A_185 = tpu.sem_alloc : memref<!tpu.dma_semaphore, #tpu.memory_space<semaphore_mem>>
      %dma_start3A_186 = arith.constant 0 : i32
      %dma_start3A_187 = tpu.memref_slice %arg7[%arg0, %add3A_164, %dma_start3A_186] : memref<2x10240x128xf32, #tpu.memory_space<hbm>> -> memref<1x80x128xf32, #tpu.memory_space<hbm>>
      %dma_start3A_188 = tpu.memref_squeeze %dma_start3A_187 : memref<1x80x128xf32, #tpu.memory_space<hbm>> -> memref<80x128xf32, #tpu.memory_space<hbm>>
      %dma_start3A_189 = arith.constant 0 : i32
      %dma_start3A_190 = tpu.memref_slice %arg7[%arg0, %add3A_164, %dma_start3A_189] : memref<2x10240x128xf32, #tpu.memory_space<hbm>> -> memref<1x80x128xf32, #tpu.memory_space<hbm>>
      %dma_start3A_191 = tpu.memref_squeeze %dma_start3A_190 : memref<1x80x128xf32, #tpu.memory_space<hbm>> -> memref<80x128xf32, #tpu.memory_space<hbm>>
      tpu.enqueue_dma source(%arg10 : memref<80x128xf32, #tpu.memory_space<vmem>>) target(%dma_start3A_191 : memref<80x128xf32, #tpu.memory_space<hbm>>) target_semaphore(%run_scoped3A_185 : memref<!tpu.dma_semaphore, #tpu.memory_space<semaphore_mem>>)
      %dma_wait3A_192 = arith.constant 0 : i32
      %dma_wait3A_193 = tpu.memref_slice %arg7[%arg0, %add3A_164, %dma_wait3A_192] : memref<2x10240x128xf32, #tpu.memory_space<hbm>> -> memref<1x80x128xf32, #tpu.memory_space<hbm>>
      %dma_wait3A_194 = tpu.memref_squeeze %dma_wait3A_193 : memref<1x80x128xf32, #tpu.memory_space<hbm>> -> memref<80x128xf32, #tpu.memory_space<hbm>>
      %dma_wait3A_195 = arith.constant 0 : i32
      %dma_wait3A_196 = tpu.memref_slice %arg7[%arg0, %add3A_164, %dma_wait3A_195] : memref<2x10240x128xf32, #tpu.memory_space<hbm>> -> memref<1x80x128xf32, #tpu.memory_space<hbm>>
      %dma_wait3A_197 = tpu.memref_squeeze %dma_wait3A_196 : memref<1x80x128xf32, #tpu.memory_space<hbm>> -> memref<80x128xf32, #tpu.memory_space<hbm>>
      tpu.wait_dma2 semaphore(%run_scoped3A_185 : memref<!tpu.dma_semaphore, #tpu.memory_space<semaphore_mem>>) src(%arg10 : memref<80x128xf32, #tpu.memory_space<vmem>>) dst(%dma_wait3A_197 : memref<80x128xf32, #tpu.memory_space<hbm>>)
      tpu.yield
    }) : () -> ()
    %mul3A_165 = arith.constant 640 : i32
    %mul3A_166 = arith.muli %arg1, %mul3A_165 : i32
    %add3A_167 = arith.constant 240 : i32
    %add3A_168 = arith.addi %mul3A_166, %add3A_167 : i32
    "tpu.region"() ({
      %run_scoped3A_185 = tpu.sem_alloc : memref<!tpu.dma_semaphore, #tpu.memory_space<semaphore_mem>>
      %dma_start3A_186 = arith.constant 0 : i32
      %dma_start3A_187 = tpu.memref_slice %arg12[%add3A_168, %dma_start3A_186] : memref<10240x128xf32, #tpu.memory_space<vmem_shared>> -> memref<80x128xf32, #tpu.memory_space<vmem_shared>>
      %dma_start3A_188 = arith.constant 0 : i32
      %dma_start3A_189 = tpu.memref_slice %arg12[%add3A_168, %dma_start3A_188] : memref<10240x128xf32, #tpu.memory_space<vmem_shared>> -> memref<80x128xf32, #tpu.memory_space<vmem_shared>>
      tpu.enqueue_dma source(%dma_start3A_189 : memref<80x128xf32, #tpu.memory_space<vmem_shared>>) target(%arg10 : memref<80x128xf32, #tpu.memory_space<vmem>>) target_semaphore(%run_scoped3A_185 : memref<!tpu.dma_semaphore, #tpu.memory_space<semaphore_mem>>)
      %dma_wait3A_190 = arith.constant 0 : i32
      %dma_wait3A_191 = tpu.memref_slice %arg12[%add3A_168, %dma_wait3A_190] : memref<10240x128xf32, #tpu.memory_space<vmem_shared>> -> memref<80x128xf32, #tpu.memory_space<vmem_shared>>
      %dma_wait3A_192 = arith.constant 0 : i32
      %dma_wait3A_193 = tpu.memref_slice %arg12[%add3A_168, %dma_wait3A_192] : memref<10240x128xf32, #tpu.memory_space<vmem_shared>> -> memref<80x128xf32, #tpu.memory_space<vmem_shared>>
      tpu.wait_dma2 semaphore(%run_scoped3A_185 : memref<!tpu.dma_semaphore, #tpu.memory_space<semaphore_mem>>) src(%dma_wait3A_193 : memref<80x128xf32, #tpu.memory_space<vmem_shared>>) dst(%arg10 : memref<80x128xf32, #tpu.memory_space<vmem>>)
      tpu.yield
    }) : () -> ()
    "tpu.region"() ({
      %run_scoped3A_185 = tpu.sem_alloc : memref<!tpu.dma_semaphore, #tpu.memory_space<semaphore_mem>>
      %dma_start3A_186 = arith.constant 0 : i32
      %dma_start3A_187 = tpu.memref_slice %arg7[%arg0, %add3A_168, %dma_start3A_186] : memref<2x10240x128xf32, #tpu.memory_space<hbm>> -> memref<1x80x128xf32, #tpu.memory_space<hbm>>
      %dma_start3A_188 = tpu.memref_squeeze %dma_start3A_187 : memref<1x80x128xf32, #tpu.memory_space<hbm>> -> memref<80x128xf32, #tpu.memory_space<hbm>>
      %dma_start3A_189 = arith.constant 0 : i32
      %dma_start3A_190 = tpu.memref_slice %arg7[%arg0, %add3A_168, %dma_start3A_189] : memref<2x10240x128xf32, #tpu.memory_space<hbm>> -> memref<1x80x128xf32, #tpu.memory_space<hbm>>
      %dma_start3A_191 = tpu.memref_squeeze %dma_start3A_190 : memref<1x80x128xf32, #tpu.memory_space<hbm>> -> memref<80x128xf32, #tpu.memory_space<hbm>>
      tpu.enqueue_dma source(%arg10 : memref<80x128xf32, #tpu.memory_space<vmem>>) target(%dma_start3A_191 : memref<80x128xf32, #tpu.memory_space<hbm>>) target_semaphore(%run_scoped3A_185 : memref<!tpu.dma_semaphore, #tpu.memory_space<semaphore_mem>>)
      %dma_wait3A_192 = arith.constant 0 : i32
      %dma_wait3A_193 = tpu.memref_slice %arg7[%arg0, %add3A_168, %dma_wait3A_192] : memref<2x10240x128xf32, #tpu.memory_space<hbm>> -> memref<1x80x128xf32, #tpu.memory_space<hbm>>
      %dma_wait3A_194 = tpu.memref_squeeze %dma_wait3A_193 : memref<1x80x128xf32, #tpu.memory_space<hbm>> -> memref<80x128xf32, #tpu.memory_space<hbm>>
      %dma_wait3A_195 = arith.constant 0 : i32
      %dma_wait3A_196 = tpu.memref_slice %arg7[%arg0, %add3A_168, %dma_wait3A_195] : memref<2x10240x128xf32, #tpu.memory_space<hbm>> -> memref<1x80x128xf32, #tpu.memory_space<hbm>>
      %dma_wait3A_197 = tpu.memref_squeeze %dma_wait3A_196 : memref<1x80x128xf32, #tpu.memory_space<hbm>> -> memref<80x128xf32, #tpu.memory_space<hbm>>
      tpu.wait_dma2 semaphore(%run_scoped3A_185 : memref<!tpu.dma_semaphore, #tpu.memory_space<semaphore_mem>>) src(%arg10 : memref<80x128xf32, #tpu.memory_space<vmem>>) dst(%dma_wait3A_197 : memref<80x128xf32, #tpu.memory_space<hbm>>)
      tpu.yield
    }) : () -> ()
    %mul3A_169 = arith.constant 640 : i32
    %mul3A_170 = arith.muli %arg1, %mul3A_169 : i32
    %add3A_171 = arith.constant 320 : i32
    %add3A_172 = arith.addi %mul3A_170, %add3A_171 : i32
    "tpu.region"() ({
      %run_scoped3A_185 = tpu.sem_alloc : memref<!tpu.dma_semaphore, #tpu.memory_space<semaphore_mem>>
      %dma_start3A_186 = arith.constant 0 : i32
      %dma_start3A_187 = tpu.memref_slice %arg12[%add3A_172, %dma_start3A_186] : memref<10240x128xf32, #tpu.memory_space<vmem_shared>> -> memref<80x128xf32, #tpu.memory_space<vmem_shared>>
      %dma_start3A_188 = arith.constant 0 : i32
      %dma_start3A_189 = tpu.memref_slice %arg12[%add3A_172, %dma_start3A_188] : memref<10240x128xf32, #tpu.memory_space<vmem_shared>> -> memref<80x128xf32, #tpu.memory_space<vmem_shared>>
      tpu.enqueue_dma source(%dma_start3A_189 : memref<80x128xf32, #tpu.memory_space<vmem_shared>>) target(%arg10 : memref<80x128xf32, #tpu.memory_space<vmem>>) target_semaphore(%run_scoped3A_185 : memref<!tpu.dma_semaphore, #tpu.memory_space<semaphore_mem>>)
      %dma_wait3A_190 = arith.constant 0 : i32
      %dma_wait3A_191 = tpu.memref_slice %arg12[%add3A_172, %dma_wait3A_190] : memref<10240x128xf32, #tpu.memory_space<vmem_shared>> -> memref<80x128xf32, #tpu.memory_space<vmem_shared>>
      %dma_wait3A_192 = arith.constant 0 : i32
      %dma_wait3A_193 = tpu.memref_slice %arg12[%add3A_172, %dma_wait3A_192] : memref<10240x128xf32, #tpu.memory_space<vmem_shared>> -> memref<80x128xf32, #tpu.memory_space<vmem_shared>>
      tpu.wait_dma2 semaphore(%run_scoped3A_185 : memref<!tpu.dma_semaphore, #tpu.memory_space<semaphore_mem>>) src(%dma_wait3A_193 : memref<80x128xf32, #tpu.memory_space<vmem_shared>>) dst(%arg10 : memref<80x128xf32, #tpu.memory_space<vmem>>)
      tpu.yield
    }) : () -> ()
    "tpu.region"() ({
      %run_scoped3A_185 = tpu.sem_alloc : memref<!tpu.dma_semaphore, #tpu.memory_space<semaphore_mem>>
      %dma_start3A_186 = arith.constant 0 : i32
      %dma_start3A_187 = tpu.memref_slice %arg7[%arg0, %add3A_172, %dma_start3A_186] : memref<2x10240x128xf32, #tpu.memory_space<hbm>> -> memref<1x80x128xf32, #tpu.memory_space<hbm>>
      %dma_start3A_188 = tpu.memref_squeeze %dma_start3A_187 : memref<1x80x128xf32, #tpu.memory_space<hbm>> -> memref<80x128xf32, #tpu.memory_space<hbm>>
      %dma_start3A_189 = arith.constant 0 : i32
      %dma_start3A_190 = tpu.memref_slice %arg7[%arg0, %add3A_172, %dma_start3A_189] : memref<2x10240x128xf32, #tpu.memory_space<hbm>> -> memref<1x80x128xf32, #tpu.memory_space<hbm>>
      %dma_start3A_191 = tpu.memref_squeeze %dma_start3A_190 : memref<1x80x128xf32, #tpu.memory_space<hbm>> -> memref<80x128xf32, #tpu.memory_space<hbm>>
      tpu.enqueue_dma source(%arg10 : memref<80x128xf32, #tpu.memory_space<vmem>>) target(%dma_start3A_191 : memref<80x128xf32, #tpu.memory_space<hbm>>) target_semaphore(%run_scoped3A_185 : memref<!tpu.dma_semaphore, #tpu.memory_space<semaphore_mem>>)
      %dma_wait3A_192 = arith.constant 0 : i32
      %dma_wait3A_193 = tpu.memref_slice %arg7[%arg0, %add3A_172, %dma_wait3A_192] : memref<2x10240x128xf32, #tpu.memory_space<hbm>> -> memref<1x80x128xf32, #tpu.memory_space<hbm>>
      %dma_wait3A_194 = tpu.memref_squeeze %dma_wait3A_193 : memref<1x80x128xf32, #tpu.memory_space<hbm>> -> memref<80x128xf32, #tpu.memory_space<hbm>>
      %dma_wait3A_195 = arith.constant 0 : i32
      %dma_wait3A_196 = tpu.memref_slice %arg7[%arg0, %add3A_172, %dma_wait3A_195] : memref<2x10240x128xf32, #tpu.memory_space<hbm>> -> memref<1x80x128xf32, #tpu.memory_space<hbm>>
      %dma_wait3A_197 = tpu.memref_squeeze %dma_wait3A_196 : memref<1x80x128xf32, #tpu.memory_space<hbm>> -> memref<80x128xf32, #tpu.memory_space<hbm>>
      tpu.wait_dma2 semaphore(%run_scoped3A_185 : memref<!tpu.dma_semaphore, #tpu.memory_space<semaphore_mem>>) src(%arg10 : memref<80x128xf32, #tpu.memory_space<vmem>>) dst(%dma_wait3A_197 : memref<80x128xf32, #tpu.memory_space<hbm>>)
      tpu.yield
    }) : () -> ()
    %mul3A_173 = arith.constant 640 : i32
    %mul3A_174 = arith.muli %arg1, %mul3A_173 : i32
    %add3A_175 = arith.constant 400 : i32
    %add3A_176 = arith.addi %mul3A_174, %add3A_175 : i32
    "tpu.region"() ({
      %run_scoped3A_185 = tpu.sem_alloc : memref<!tpu.dma_semaphore, #tpu.memory_space<semaphore_mem>>
      %dma_start3A_186 = arith.constant 0 : i32
      %dma_start3A_187 = tpu.memref_slice %arg12[%add3A_176, %dma_start3A_186] : memref<10240x128xf32, #tpu.memory_space<vmem_shared>> -> memref<80x128xf32, #tpu.memory_space<vmem_shared>>
      %dma_start3A_188 = arith.constant 0 : i32
      %dma_start3A_189 = tpu.memref_slice %arg12[%add3A_176, %dma_start3A_188] : memref<10240x128xf32, #tpu.memory_space<vmem_shared>> -> memref<80x128xf32, #tpu.memory_space<vmem_shared>>
      tpu.enqueue_dma source(%dma_start3A_189 : memref<80x128xf32, #tpu.memory_space<vmem_shared>>) target(%arg10 : memref<80x128xf32, #tpu.memory_space<vmem>>) target_semaphore(%run_scoped3A_185 : memref<!tpu.dma_semaphore, #tpu.memory_space<semaphore_mem>>)
      %dma_wait3A_190 = arith.constant 0 : i32
      %dma_wait3A_191 = tpu.memref_slice %arg12[%add3A_176, %dma_wait3A_190] : memref<10240x128xf32, #tpu.memory_space<vmem_shared>> -> memref<80x128xf32, #tpu.memory_space<vmem_shared>>
      %dma_wait3A_192 = arith.constant 0 : i32
      %dma_wait3A_193 = tpu.memref_slice %arg12[%add3A_176, %dma_wait3A_192] : memref<10240x128xf32, #tpu.memory_space<vmem_shared>> -> memref<80x128xf32, #tpu.memory_space<vmem_shared>>
      tpu.wait_dma2 semaphore(%run_scoped3A_185 : memref<!tpu.dma_semaphore, #tpu.memory_space<semaphore_mem>>) src(%dma_wait3A_193 : memref<80x128xf32, #tpu.memory_space<vmem_shared>>) dst(%arg10 : memref<80x128xf32, #tpu.memory_space<vmem>>)
      tpu.yield
    }) : () -> ()
    "tpu.region"() ({
      %run_scoped3A_185 = tpu.sem_alloc : memref<!tpu.dma_semaphore, #tpu.memory_space<semaphore_mem>>
      %dma_start3A_186 = arith.constant 0 : i32
      %dma_start3A_187 = tpu.memref_slice %arg7[%arg0, %add3A_176, %dma_start3A_186] : memref<2x10240x128xf32, #tpu.memory_space<hbm>> -> memref<1x80x128xf32, #tpu.memory_space<hbm>>
      %dma_start3A_188 = tpu.memref_squeeze %dma_start3A_187 : memref<1x80x128xf32, #tpu.memory_space<hbm>> -> memref<80x128xf32, #tpu.memory_space<hbm>>
      %dma_start3A_189 = arith.constant 0 : i32
      %dma_start3A_190 = tpu.memref_slice %arg7[%arg0, %add3A_176, %dma_start3A_189] : memref<2x10240x128xf32, #tpu.memory_space<hbm>> -> memref<1x80x128xf32, #tpu.memory_space<hbm>>
      %dma_start3A_191 = tpu.memref_squeeze %dma_start3A_190 : memref<1x80x128xf32, #tpu.memory_space<hbm>> -> memref<80x128xf32, #tpu.memory_space<hbm>>
      tpu.enqueue_dma source(%arg10 : memref<80x128xf32, #tpu.memory_space<vmem>>) target(%dma_start3A_191 : memref<80x128xf32, #tpu.memory_space<hbm>>) target_semaphore(%run_scoped3A_185 : memref<!tpu.dma_semaphore, #tpu.memory_space<semaphore_mem>>)
      %dma_wait3A_192 = arith.constant 0 : i32
      %dma_wait3A_193 = tpu.memref_slice %arg7[%arg0, %add3A_176, %dma_wait3A_192] : memref<2x10240x128xf32, #tpu.memory_space<hbm>> -> memref<1x80x128xf32, #tpu.memory_space<hbm>>
      %dma_wait3A_194 = tpu.memref_squeeze %dma_wait3A_193 : memref<1x80x128xf32, #tpu.memory_space<hbm>> -> memref<80x128xf32, #tpu.memory_space<hbm>>
      %dma_wait3A_195 = arith.constant 0 : i32
      %dma_wait3A_196 = tpu.memref_slice %arg7[%arg0, %add3A_176, %dma_wait3A_195] : memref<2x10240x128xf32, #tpu.memory_space<hbm>> -> memref<1x80x128xf32, #tpu.memory_space<hbm>>
      %dma_wait3A_197 = tpu.memref_squeeze %dma_wait3A_196 : memref<1x80x128xf32, #tpu.memory_space<hbm>> -> memref<80x128xf32, #tpu.memory_space<hbm>>
      tpu.wait_dma2 semaphore(%run_scoped3A_185 : memref<!tpu.dma_semaphore, #tpu.memory_space<semaphore_mem>>) src(%arg10 : memref<80x128xf32, #tpu.memory_space<vmem>>) dst(%dma_wait3A_197 : memref<80x128xf32, #tpu.memory_space<hbm>>)
      tpu.yield
    }) : () -> ()
    %mul3A_177 = arith.constant 640 : i32
    %mul3A_178 = arith.muli %arg1, %mul3A_177 : i32
    %add3A_179 = arith.constant 480 : i32
    %add3A_180 = arith.addi %mul3A_178, %add3A_179 : i32
    "tpu.region"() ({
      %run_scoped3A_185 = tpu.sem_alloc : memref<!tpu.dma_semaphore, #tpu.memory_space<semaphore_mem>>
      %dma_start3A_186 = arith.constant 0 : i32
      %dma_start3A_187 = tpu.memref_slice %arg12[%add3A_180, %dma_start3A_186] : memref<10240x128xf32, #tpu.memory_space<vmem_shared>> -> memref<80x128xf32, #tpu.memory_space<vmem_shared>>
      %dma_start3A_188 = arith.constant 0 : i32
      %dma_start3A_189 = tpu.memref_slice %arg12[%add3A_180, %dma_start3A_188] : memref<10240x128xf32, #tpu.memory_space<vmem_shared>> -> memref<80x128xf32, #tpu.memory_space<vmem_shared>>
      tpu.enqueue_dma source(%dma_start3A_189 : memref<80x128xf32, #tpu.memory_space<vmem_shared>>) target(%arg10 : memref<80x128xf32, #tpu.memory_space<vmem>>) target_semaphore(%run_scoped3A_185 : memref<!tpu.dma_semaphore, #tpu.memory_space<semaphore_mem>>)
      %dma_wait3A_190 = arith.constant 0 : i32
      %dma_wait3A_191 = tpu.memref_slice %arg12[%add3A_180, %dma_wait3A_190] : memref<10240x128xf32, #tpu.memory_space<vmem_shared>> -> memref<80x128xf32, #tpu.memory_space<vmem_shared>>
      %dma_wait3A_192 = arith.constant 0 : i32
      %dma_wait3A_193 = tpu.memref_slice %arg12[%add3A_180, %dma_wait3A_192] : memref<10240x128xf32, #tpu.memory_space<vmem_shared>> -> memref<80x128xf32, #tpu.memory_space<vmem_shared>>
      tpu.wait_dma2 semaphore(%run_scoped3A_185 : memref<!tpu.dma_semaphore, #tpu.memory_space<semaphore_mem>>) src(%dma_wait3A_193 : memref<80x128xf32, #tpu.memory_space<vmem_shared>>) dst(%arg10 : memref<80x128xf32, #tpu.memory_space<vmem>>)
      tpu.yield
    }) : () -> ()
    "tpu.region"() ({
      %run_scoped3A_185 = tpu.sem_alloc : memref<!tpu.dma_semaphore, #tpu.memory_space<semaphore_mem>>
      %dma_start3A_186 = arith.constant 0 : i32
      %dma_start3A_187 = tpu.memref_slice %arg7[%arg0, %add3A_180, %dma_start3A_186] : memref<2x10240x128xf32, #tpu.memory_space<hbm>> -> memref<1x80x128xf32, #tpu.memory_space<hbm>>
      %dma_start3A_188 = tpu.memref_squeeze %dma_start3A_187 : memref<1x80x128xf32, #tpu.memory_space<hbm>> -> memref<80x128xf32, #tpu.memory_space<hbm>>
      %dma_start3A_189 = arith.constant 0 : i32
      %dma_start3A_190 = tpu.memref_slice %arg7[%arg0, %add3A_180, %dma_start3A_189] : memref<2x10240x128xf32, #tpu.memory_space<hbm>> -> memref<1x80x128xf32, #tpu.memory_space<hbm>>
      %dma_start3A_191 = tpu.memref_squeeze %dma_start3A_190 : memref<1x80x128xf32, #tpu.memory_space<hbm>> -> memref<80x128xf32, #tpu.memory_space<hbm>>
      tpu.enqueue_dma source(%arg10 : memref<80x128xf32, #tpu.memory_space<vmem>>) target(%dma_start3A_191 : memref<80x128xf32, #tpu.memory_space<hbm>>) target_semaphore(%run_scoped3A_185 : memref<!tpu.dma_semaphore, #tpu.memory_space<semaphore_mem>>)
      %dma_wait3A_192 = arith.constant 0 : i32
      %dma_wait3A_193 = tpu.memref_slice %arg7[%arg0, %add3A_180, %dma_wait3A_192] : memref<2x10240x128xf32, #tpu.memory_space<hbm>> -> memref<1x80x128xf32, #tpu.memory_space<hbm>>
      %dma_wait3A_194 = tpu.memref_squeeze %dma_wait3A_193 : memref<1x80x128xf32, #tpu.memory_space<hbm>> -> memref<80x128xf32, #tpu.memory_space<hbm>>
      %dma_wait3A_195 = arith.constant 0 : i32
      %dma_wait3A_196 = tpu.memref_slice %arg7[%arg0, %add3A_180, %dma_wait3A_195] : memref<2x10240x128xf32, #tpu.memory_space<hbm>> -> memref<1x80x128xf32, #tpu.memory_space<hbm>>
      %dma_wait3A_197 = tpu.memref_squeeze %dma_wait3A_196 : memref<1x80x128xf32, #tpu.memory_space<hbm>> -> memref<80x128xf32, #tpu.memory_space<hbm>>
      tpu.wait_dma2 semaphore(%run_scoped3A_185 : memref<!tpu.dma_semaphore, #tpu.memory_space<semaphore_mem>>) src(%arg10 : memref<80x128xf32, #tpu.memory_space<vmem>>) dst(%dma_wait3A_197 : memref<80x128xf32, #tpu.memory_space<hbm>>)
      tpu.yield
    }) : () -> ()
    %mul3A_181 = arith.constant 640 : i32
    %mul3A_182 = arith.muli %arg1, %mul3A_181 : i32
    %add3A_183 = arith.constant 560 : i32
    %add3A_184 = arith.addi %mul3A_182, %add3A_183 : i32
    "tpu.region"() ({
      %run_scoped3A_185 = tpu.sem_alloc : memref<!tpu.dma_semaphore, #tpu.memory_space<semaphore_mem>>
      %dma_start3A_186 = arith.constant 0 : i32
      %dma_start3A_187 = tpu.memref_slice %arg12[%add3A_184, %dma_start3A_186] : memref<10240x128xf32, #tpu.memory_space<vmem_shared>> -> memref<80x128xf32, #tpu.memory_space<vmem_shared>>
      %dma_start3A_188 = arith.constant 0 : i32
      %dma_start3A_189 = tpu.memref_slice %arg12[%add3A_184, %dma_start3A_188] : memref<10240x128xf32, #tpu.memory_space<vmem_shared>> -> memref<80x128xf32, #tpu.memory_space<vmem_shared>>
      tpu.enqueue_dma source(%dma_start3A_189 : memref<80x128xf32, #tpu.memory_space<vmem_shared>>) target(%arg10 : memref<80x128xf32, #tpu.memory_space<vmem>>) target_semaphore(%run_scoped3A_185 : memref<!tpu.dma_semaphore, #tpu.memory_space<semaphore_mem>>)
      %dma_wait3A_190 = arith.constant 0 : i32
      %dma_wait3A_191 = tpu.memref_slice %arg12[%add3A_184, %dma_wait3A_190] : memref<10240x128xf32, #tpu.memory_space<vmem_shared>> -> memref<80x128xf32, #tpu.memory_space<vmem_shared>>
      %dma_wait3A_192 = arith.constant 0 : i32
      %dma_wait3A_193 = tpu.memref_slice %arg12[%add3A_184, %dma_wait3A_192] : memref<10240x128xf32, #tpu.memory_space<vmem_shared>> -> memref<80x128xf32, #tpu.memory_space<vmem_shared>>
      tpu.wait_dma2 semaphore(%run_scoped3A_185 : memref<!tpu.dma_semaphore, #tpu.memory_space<semaphore_mem>>) src(%dma_wait3A_193 : memref<80x128xf32, #tpu.memory_space<vmem_shared>>) dst(%arg10 : memref<80x128xf32, #tpu.memory_space<vmem>>)
      tpu.yield
    }) : () -> ()
    "tpu.region"() ({
      %run_scoped3A_185 = tpu.sem_alloc : memref<!tpu.dma_semaphore, #tpu.memory_space<semaphore_mem>>
      %dma_start3A_186 = arith.constant 0 : i32
      %dma_start3A_187 = tpu.memref_slice %arg7[%arg0, %add3A_184, %dma_start3A_186] : memref<2x10240x128xf32, #tpu.memory_space<hbm>> -> memref<1x80x128xf32, #tpu.memory_space<hbm>>
      %dma_start3A_188 = tpu.memref_squeeze %dma_start3A_187 : memref<1x80x128xf32, #tpu.memory_space<hbm>> -> memref<80x128xf32, #tpu.memory_space<hbm>>
      %dma_start3A_189 = arith.constant 0 : i32
      %dma_start3A_190 = tpu.memref_slice %arg7[%arg0, %add3A_184, %dma_start3A_189] : memref<2x10240x128xf32, #tpu.memory_space<hbm>> -> memref<1x80x128xf32, #tpu.memory_space<hbm>>
      %dma_start3A_191 = tpu.memref_squeeze %dma_start3A_190 : memref<1x80x128xf32, #tpu.memory_space<hbm>> -> memref<80x128xf32, #tpu.memory_space<hbm>>
      tpu.enqueue_dma source(%arg10 : memref<80x128xf32, #tpu.memory_space<vmem>>) target(%dma_start3A_191 : memref<80x128xf32, #tpu.memory_space<hbm>>) target_semaphore(%run_scoped3A_185 : memref<!tpu.dma_semaphore, #tpu.memory_space<semaphore_mem>>)
      %dma_wait3A_192 = arith.constant 0 : i32
      %dma_wait3A_193 = tpu.memref_slice %arg7[%arg0, %add3A_184, %dma_wait3A_192] : memref<2x10240x128xf32, #tpu.memory_space<hbm>> -> memref<1x80x128xf32, #tpu.memory_space<hbm>>
      %dma_wait3A_194 = tpu.memref_squeeze %dma_wait3A_193 : memref<1x80x128xf32, #tpu.memory_space<hbm>> -> memref<80x128xf32, #tpu.memory_space<hbm>>
      %dma_wait3A_195 = arith.constant 0 : i32
      %dma_wait3A_196 = tpu.memref_slice %arg7[%arg0, %add3A_184, %dma_wait3A_195] : memref<2x10240x128xf32, #tpu.memory_space<hbm>> -> memref<1x80x128xf32, #tpu.memory_space<hbm>>
      %dma_wait3A_197 = tpu.memref_squeeze %dma_wait3A_196 : memref<1x80x128xf32, #tpu.memory_space<hbm>> -> memref<80x128xf32, #tpu.memory_space<hbm>>
      tpu.wait_dma2 semaphore(%run_scoped3A_185 : memref<!tpu.dma_semaphore, #tpu.memory_space<semaphore_mem>>) src(%arg10 : memref<80x128xf32, #tpu.memory_space<vmem>>) dst(%dma_wait3A_197 : memref<80x128xf32, #tpu.memory_space<hbm>>)
      tpu.yield
    }) : () -> ()
    return
  }
}

module attributes {stable_mosaic.version = 14 : i64} {
  func.func @body(%arg0: i32, %arg1: memref<1000x128xf32, #tpu.memory_space<vmem>>, %arg2: memref<2x1000x128xf32, #tpu.memory_space<vmem>>, %arg3: memref<128x128xf32, #tpu.memory_space<vmem>>, %arg4: memref<128x128xf32, #tpu.memory_space<vmem>>, %arg5: memref<1000x128xf32, #tpu.memory_space<vmem>>) attributes {dimension_semantics = [#tpu.dimension_semantics<arbitrary>], iteration_bounds = array<i64: 10>, scalar_prefetch = 0 : i64, scratch_operands = 0 : i64, tpu.core_type = #tpu.core_type<tc>, window_params = [{transform_indices = @transform_0, window_bounds = array<i64: 1000, 128>}, {transform_indices = @transform_1, window_bounds = array<i64: 2, 1000, 128>}, {pipeline_mode = #tpu.pipeline_mode<synchronous>, transform_indices = @transform_2, window_bounds = array<i64: 128, 128>}, {pipeline_mode = #tpu.pipeline_mode<synchronous>, transform_indices = @transform_3, window_bounds = array<i64: 128, 128>}, {transform_indices = @transform_4, window_bounds = array<i64: 1000, 128>}]} {
    %get3A = arith.constant 0 : index
    %get3A_0 = arith.constant 0 : index
    %get3A_1 = vector.load %arg1[%get3A, %get3A_0] : memref<1000x128xf32, #tpu.memory_space<vmem>>, vector<1000x128xf32>
    %get3A_2 = arith.constant 0 : index
    %get3A_3 = arith.constant 0 : index
    %get3A_4 = vector.load %arg3[%get3A_2, %get3A_3] : memref<128x128xf32, #tpu.memory_space<vmem>>, vector<128x128xf32>
    %dot_general3A = arith.constant dense<0.000000e+00> : vector<1000x128xf32>
    %dot_general3A_5 = tpu.matmul %get3A_1, %get3A_4, %dot_general3A {dimension_numbers = #tpu.dot_dimension_numbers<[1], [0], [0], [1], [0, 0, 1, 1], [], []>, precision = #tpu.contract_precision<fp32>, transpose_lhs_hint = false} : vector<1000x128xf32>, vector<128x128xf32>, vector<1000x128xf32> -> vector<1000x128xf32>
    %get3A_6 = arith.constant 0 : index
    %get3A_7 = arith.constant 0 : index
    %get3A_8 = arith.constant 0 : index
    %get3A_9 = vector.load %arg2[%get3A_6, %get3A_7, %get3A_8] : memref<2x1000x128xf32, #tpu.memory_space<vmem>>, vector<1x1000x128xf32>
    %get3A_10 = vector.shape_cast %get3A_9 : vector<1x1000x128xf32> to vector<1000x128xf32>
    %get3A_11 = arith.constant 1 : index
    %get3A_12 = arith.constant 0 : index
    %get3A_13 = arith.constant 0 : index
    %get3A_14 = vector.load %arg2[%get3A_11, %get3A_12, %get3A_13] : memref<2x1000x128xf32, #tpu.memory_space<vmem>>, vector<1x1000x128xf32>
    %get3A_15 = vector.shape_cast %get3A_14 : vector<1x1000x128xf32> to vector<1000x128xf32>
    %add3A = arith.addf %get3A_10, %get3A_15 : vector<1000x128xf32>
    %get3A_16 = arith.constant 0 : index
    %get3A_17 = arith.constant 0 : index
    %get3A_18 = vector.load %arg4[%get3A_16, %get3A_17] : memref<128x128xf32, #tpu.memory_space<vmem>>, vector<128x128xf32>
    %dot_general3A_19 = arith.constant dense<0.000000e+00> : vector<1000x128xf32>
    %dot_general3A_20 = tpu.matmul %add3A, %get3A_18, %dot_general3A_19 {dimension_numbers = #tpu.dot_dimension_numbers<[1], [0], [0], [1], [0, 0, 1, 1], [], []>, precision = #tpu.contract_precision<fp32>, transpose_lhs_hint = false} : vector<1000x128xf32>, vector<128x128xf32>, vector<1000x128xf32> -> vector<1000x128xf32>
    %add3A_21 = arith.addf %dot_general3A_5, %dot_general3A_20 : vector<1000x128xf32>
    %max3A = arith.constant 0.000000e+00 : f32
    %max3A_22 = vector.broadcast %max3A : f32 to vector<1000x128xf32>
    %max3A_23 = arith.maximumf %add3A_21, %max3A_22 : vector<1000x128xf32>
    %swap3A = arith.constant 0 : index
    %swap3A_24 = arith.constant 0 : index
    %swap3A_25 = vector.load %arg5[%swap3A, %swap3A_24] : memref<1000x128xf32, #tpu.memory_space<vmem>>, vector<1000x128xf32>
    tpu.vector_store %arg5[%swap3A, %swap3A_24], %max3A_23 {strides = array<i32>} : memref<1000x128xf32, #tpu.memory_space<vmem>>, vector<1000x128xf32>,
    return
  }
  func.func @transform_0(%arg0: i32) -> (i32, i32) {
    %c0_i32 = arith.constant 0 : i32
    %c0_i32_0 = arith.constant 0 : i32
    return %arg0, %c0_i32 : i32, i32
  }
  func.func @transform_1(%arg0: i32) -> (i32, i32, i32) {
    %c0_i32 = arith.constant 0 : i32
    %c0_i32_0 = arith.constant 0 : i32
    %c0_i32_1 = arith.constant 0 : i32
    return %c0_i32, %arg0, %c0_i32_0 : i32, i32, i32
  }
  func.func @transform_2(%arg0: i32) -> (i32, i32) {
    %c0_i32 = arith.constant 0 : i32
    %c0_i32_0 = arith.constant 0 : i32
    %c0_i32_1 = arith.constant 0 : i32
    return %c0_i32, %c0_i32_0 : i32, i32
  }
  func.func @transform_3(%arg0: i32) -> (i32, i32) {
    %c0_i32 = arith.constant 0 : i32
    %c0_i32_0 = arith.constant 0 : i32
    %c0_i32_1 = arith.constant 0 : i32
    return %c0_i32, %c0_i32_0 : i32, i32
  }
  func.func @transform_4(%arg0: i32) -> (i32, i32) {
    %c0_i32 = arith.constant 0 : i32
    %c0_i32_0 = arith.constant 0 : i32
    return %arg0, %c0_i32 : i32, i32
  }
}

</mosaic_0001>

<sc_bundles>
// kernel: kernel.4.cloned.1.call-start
scs
__scs_entry_jumppad:
0x0: {  	(pc) =	sbr.rel $0x88, $3  }
0x1: {  	(tag) =	ssettag $0x0;
	lr =	simm.s32 $0x1  }
0x2: {  	[smem:$0x3F9B] =	sst lr;
	_ =	strace $0xD0000000  }
0x3: {  	_ = 	snop  }
0x4: {  	_ = 	snop  }
0x5: {  	_ = 	snop  }
0x6: {  	_ = 	snop  }
0x7: {  	_ = 	snop  }
__scs_overlays_trampoline_lowered:
0x8: {  	[smem:$0x3FAA] =	sst s0  }
0x9: {  	[smem:$0x3FAB] =	sst s1  }
0xa: {  	[smem:$0x3FAC] =	sst s2  }
0xb: {  	[smem:$0x3FAD] =	sst s3  }
0xc: {  	[smem:$0x3FAE] =	sst s4  }
0xd: {  	[smem:$0x3FAF] =	sst s5  }
0xe: {  	[smem:$0x3FB0] =	sst s6  }
0xf: {  	[smem:$0x3FB1] =	sst s7  }
0x10: {  	[smem:$0x3FB2] =	sst s8  }
0x11: {  	[smem:$0x3FB3] =	sst s9;
	s0 =	simm.s32 @!p0 $0x0  }
0x12: {  	s1 =	sld [smem:$0x3F99];
	s0 =	simm.s32 @p0 $0x1  }
0x13: {  	[smem:$0x3FB4] =	sst s0;
	s0 =	simm.s32 @!p1 $0x0  }
0x14: {  	s2 =	sld [smem:$0x3F98];
	s0 =	simm.s32 @p1 $0x1  }
0x15: {  	[smem:$0x3FB5] =	sst s0;
	s0 =	simm.s32 @!p2 $0x0  }
0x16: {  	s3 =	sld [smem:$0x3FDB];
	s0 =	simm.s32 @p2 $0x1  }
0x17: {  	s4 =	simm.s32 $0x1BF5;
	[smem:$0x3FB7] =	sst s0  }
0x18: {  	s0 =	sld [smem:$0x3F9A];
	_ =	swait.ge [sflag:s4], $0x0  }
0x19: {  	s7 =	sld [smem:$0x3F9B]  }
0x1a: {  	s8 =	sadd.s32 $0xFFFFE003, lr  }
0x1b: {  	s9 =	sadd.s32 $0xFFFFFEF7, lr;
	s5 =	simm.s32 $0xFFFFFFFF;
	p2 =	slt.u32 s8, $0xFFFFF086  }
0x1c: {  	p1 =	slt.u32 s9, $0xF7A;
	s5 =	simm.s32 @!p2 $0x0  }
0x1d: {  	s5 =	simm.s32 @p1 $0x1;
	p0 =	seq.s32 s7, s2  }
0x1e: {  	s7 =	smul.u32 @!p0 $0xF7A, s2;
	p2 =	seq.s32 @!p0 s5, $0x0  }
0x1f: {  	s9 =	smul.u32 $0xF7A, s1;
	s8 =	simm.s32 @!p0 $0x1BF5;
	p2 =	por !p2, p0  }
0x20: {  	[sflag:s8] =	ssyncset.s32 @!p0 $0xFFFFF086;
	s6 =	sadd.s32 @!p0 s3, s7;
	s7 =	simm.s32 @!p0 $0x108  }
0x21: {  	s3 =	sadd.s32 s3, s9;
	s6 =	sadd.s32 @!p0 $0x88, s6;
	s7 =	simm.s32 @p2 $0x1082  }
0x22: {  	[simem:s7], [sflag:s8] =	dma.local @!p0 [hbm:s6], $0xF7A  }
0x23: {  	s9 =	sor.u32 $0xD0000000, s2;
	s6 =	simm.s32 $0x108;
	_ =	swait.ge @!p0 [sflag:s8], $0x0  }
0x24: {  	s3 =	sadd.s32 $0x88, s3;
	s6 =	simm.s32 @!p1 $0x1082;
	[sflag:s4] =	ssyncset.s32 $0xFFFFF086  }
0x25: {  	[simem:s6], [sflag:s4] =	dma.local [hbm:s3], $0xF7A  }
0x26: {  	[smem:$0x3F9B] =	sst s1;
	(tag) =	ssettag s2;
	_ =	strace s9  }
0x27: {  	s1 =	sld [smem:$0x3FAB]  }
0x28: {  	s2 =	sld [smem:$0x3FAC]  }
0x29: {  	s4 =	sld [smem:$0x3FAE]  }
0x2a: {  	p0 =	seq.s32 s5, $0x0;
	s5 =	sld [smem:$0x3FAF]  }
0x2b: {  	s6 =	sld [smem:$0x3FB0]  }
0x2c: {  	s7 =	sld [smem:$0x3FB1]  }
0x2d: {  	s3 =	simm.s32 $0x108;
	s8 =	sld [smem:$0x3FB2]  }
0x2e: {  	s3 =	simm.s32 @!p0 $0x1082;
	s9 =	sld [smem:$0x3FB3]  }
0x2f: {  	lr =	sadd.s32 s0, s3;
	s0 =	sld [smem:$0x3FAA]  }
0x30: {  	s3 =	sld [smem:$0x3FAD]  }
0x31: {  	[smem:$0x3FB6] =	sst s10  }
0x32: {  	s10 =	sld [smem:$0x3FB4];
	_ =	sdelay $0x3  }
0x33: {  	p0 =	seq.s32 s10, $0x1;
	s10 =	sld [smem:$0x3FB6];
	_ =	sdelay $0x3  }
0x34: {  	[smem:$0x3FB6] =	sst s10  }
0x35: {  	s10 =	sld [smem:$0x3FB5];
	_ =	sdelay $0x3  }
0x36: {  	p1 =	seq.s32 s10, $0x1;
	s10 =	sld [smem:$0x3FB6];
	_ =	sdelay $0x3  }
0x37: {  	[smem:$0x3FB6] =	sst s10  }
0x38: {  	s10 =	sld [smem:$0x3FB7]  }
0x39: {  	_ = 	snop;
	(pc) =	sbr.ind lr, $3  }
0x3a: {  	_ = 	snop  }
0x3b: {  	_ = 	snop  }
0x3c: {  	p2 =	seq.s32 s10, $0x1;
	s10 =	sld [smem:$0x3FB6]  }
0x3d: {  	_ =	shalt  }
0x3e: {  	_ =	shalt  }
0x3f: {  	_ =	shalt  }
0x40: {  	_ =	shalt  }
0x41: {  	_ =	shalt  }
0x42: {  	_ =	shalt  }
0x43: {  	_ =	shalt  }
0x44: {  	_ =	shalt  }
0x45: {  	_ =	shalt  }
0x46: {  	_ =	shalt  }
0x47: {  	_ =	shalt  }
0x48: {  	_ =	shalt  }
0x49: {  	_ =	shalt  }
0x4a: {  	_ =	shalt  }
0x4b: {  	_ =	shalt  }
0x4c: {  	_ =	shalt  }
0x4d: {  	_ =	shalt  }
0x4e: {  	_ =	shalt  }
0x4f: {  	_ =	shalt  }
0x50: {  	_ =	shalt  }
0x51: {  	_ =	shalt  }
0x52: {  	_ =	shalt  }
0x53: {  	_ =	shalt  }
0x54: {  	_ =	shalt  }
0x55: {  	_ =	shalt  }
0x56: {  	_ =	shalt  }
0x57: {  	_ =	shalt  }
0x58: {  	_ =	shalt  }
0x59: {  	_ =	shalt  }
0x5a: {  	_ =	shalt  }
0x5b: {  	_ =	shalt  }
0x5c: {  	_ =	shalt  }
0x5d: {  	_ =	shalt  }
0x5e: {  	_ =	shalt  }
0x5f: {  	_ =	shalt  }
0x60: {  	_ =	shalt  }
0x61: {  	_ =	shalt  }
0x62: {  	_ =	shalt  }
0x63: {  	_ =	shalt  }
0x64: {  	_ =	shalt  }
0x65: {  	_ =	shalt  }
0x66: {  	_ =	shalt  }
0x67: {  	_ =	shalt  }
0x68: {  	_ =	shalt  }
0x69: {  	_ =	shalt  }
0x6a: {  	_ =	shalt  }
0x6b: {  	_ =	shalt  }
0x6c: {  	_ =	shalt  }
0x6d: {  	_ =	shalt  }
0x6e: {  	_ =	shalt  }
0x6f: {  	_ =	shalt  }
0x70: {  	_ =	shalt  }
0x71: {  	_ =	shalt  }
0x72: {  	_ =	shalt  }
0x73: {  	_ =	shalt  }
0x74: {  	_ =	shalt  }
0x75: {  	_ =	shalt  }
0x76: {  	_ =	shalt  }
0x77: {  	_ =	shalt  }
0x78: {  	_ =	shalt  }
0x79: {  	_ =	shalt  }
0x7a: {  	_ =	shalt  }
0x7b: {  	_ =	shalt  }
0x7c: {  	_ =	shalt  }
0x7d: {  	_ =	shalt  }
0x7e: {  	_ =	shalt  }
0x7f: {  	_ =	shalt  }
0x80: {  	_ =	shalt  }
0x81: {  	_ =	shalt  }
0x82: {  	_ =	shalt  }
0x83: {  	_ =	shalt  }
0x84: {  	_ =	shalt  }
0x85: {  	_ =	shalt  }
0x86: {  	_ =	shalt  }
0x87: {  	_ =	shalt  }
.Lfunc_end0:
.L_simem_size_0:
called_computation_lowered:
.L_overlay_start_0:
0x88: {  	s2 =	sld [smem:$0x3FD9]  }
0x89: {  	s3 =	sld [smem:$0x3FFE];
	_ =	sdelay $0x1  }
0x8a: {  	s1 =	srdreg.scid  }
0x8b: {  	s0 =	sand.u32 $0x1, s1  }
0x8c: {  	s17 =	sshll.u32 s0, $0xA;
	s2 =	sadd.s32 s3, s2  }
0x8d: {  	s2 =	sadd.s32 s2, s17  }
0x8e: {  	[smem:$0x3FC2] =	sst s2  }
0x8f: {  	_ = 	snop  }
0x90: {  	s2 =	sld [smem:$0x3FC9]  }
0x91: {  	s18 =	sld [smem:$0x3FC7]  }
0x92: {  	s4 =	sld [smem:$0x3FD0];
	(tm) =	ssettm $0x1  }
0x93: {  	s5 =	sld [smem:$0x3FFB];
	_ =	sdelay $0x3  }
0x94: {  	_ =	strace s5  }
0x95: {  	s5 =	sld [smem:$0x3FFC];
	_ =	sdelay $0x3  }
0x96: {  	_ =	strace s5  }
0x97: {  	s5 =	sld [smem:$0x3FFD];
	_ =	sdelay $0x3  }
0x98: {  	_ =	strace s5  }
0x99: {  	_ =	strace $0x8FFFFFFF  }
0x9a: {  	s19 =	sld [smem:$0x3FDB];
	_ =	sdelay $0x1  }
0x9b: {  	s6 =	simm.s32 $_scs_section_size  }
0x9c: {  	s7 =	simm.s32 $_size__tile_overlayer_lowered;
	s8 =	simm.s32 $_tile_overlayer_lowered  }
0x9d: {  	s22 =	simm.s32 $0x1BFF;
	s21 =	sshll.u32 s8, $0x1;
	s5 =	sadd.s32 s6, s19  }
0x9e: {  	s9 =	simm.s32 $0x0;
	s20 =	sshll.u32 s7, $0x1;
	s7 =	sadd.s32 s21, s5  }
0x9f: {  	[timem:s9], [sflag:s22] =	dma.local [hbm:s7], s20  }
0xa0: {  	_ =	swait.ge [sflag:s22], s20  }
0xa1: {  	s6 =	ssub.s32 $0x0, s20;
	[sflag:s22] =	ssyncset.done $0x0  }
0xa2: {  	[sflag:s22] =	ssyncadd.s32 s6;
	_ =	sdelay $0x1  }
0xa3: {  	s23 =	simm.s32 $0x1B8B  }
0xa4: {  	_ =	swait.ge [sflag:s23], $0x1  }
0xa5: {  	[sflag:s23] =	ssyncset.done $0x0  }
0xa6: {  	s25 =	simm.s32 $0x1B8E;
	s24 =	sld [smem:$0x3FFE];
	[sflag:s23] =	ssyncadd.s32 $0xFFFFFFFF  }
0xa7: {  	s26 =	simm.s32 $execute0_lowered;
	[smem:$0x3FD2] =	sst s25  }
0xa8: {  	s7 =	sshll.u32 s26, $0x1;
	_ =	strace $0x80000046;
	[dreg:$0x1] =	wrdreg $0xFFFFFFFF  }
0xa9: {  	s28 =	simm.s32 $_size_execute0_lowered;
	s5 =	sadd.s32 s5, s7;
	[dreg:$0x0] =	wrdreg $0x0  }
0xaa: {  	s7 =	sshll.u32 s28, $0x1;
	[dreg:$0x2] =	wrdreg s5  }
0xab: {  	[dreg:$0x3] =	wrdreg s7  }
0xac: {  	[dreg:$0x4] =	wrdreg $0xC0  }
0xad: {  	_ =	task [dreg:s9], $0x5FFFF  }
0xae: {  	[dreg:$0x1] =	wrdreg $0xFFFFFFFF  }
0xaf: {  	[dreg:$0x0] =	wrdreg $0x60  }
0xb0: {  	[dreg:$0x2] =	wrdreg s2  }
0xb1: {  	[dreg:$0x3] =	wrdreg s24  }
0xb2: {  	[dreg:$0x4] =	wrdreg s18  }
0xb3: {  	[dreg:$0x5] =	wrdreg s4  }
0xb4: {  	[dreg:$0x6] =	wrdreg $0x56000  }
0xb5: {  	[dreg:$0x7] =	wrdreg $0x9  }
0xb6: {  	_ =	task.clear_ibuf [dreg:s9], $0x8FFFF;
	_ =	strace $0x90000046  }
0xb7: {  	s29 =	simm.s32 $0x9;
	_ =	strace $0x80000048  }
0xb8: {  	_ =	swait.ge [sflag:s29], $0x1  }
0xb9: {  	[sflag:s29] =	ssyncadd.s32 $0xFFFFFFFF  }
0xba: {  	_ =	strace $0x90000048  }
0xbb: {  	_ =	sfence  }
0xbc: {  	s30 =	sld [smem:$0x0];
	_ =	sdelay $0x2  }
0xbd: {  	s31 =	sshll.u32 s1, $0xD;
	s1 =	sshrl.u32 s1, $0x2  }
0xbe: {  	s3 =	sand.u32 $0x4000, s31;
	s1 =	sadd.s32 s1, s30  }
0xbf: {  	s0 =	sor.u32 s3, s0;
	s1 =	sshll.u32 s1, $0x11  }
0xc0: {  	s0 =	sor.u32 s1, s0  }
0xc1: {  	s0 =	sadd.s32 $0x8F2B, s0  }
0xc2: {  	[sflag:s0] =	ssyncadd.remote.s32 $0x1  }
0xc3: {  	_ =	sfence.sel $0xFFFF  }
0xc4: {  	[dreg:$0x0] =	wrdreg $0xFFFFFFFF;
	(pc) =	sbr.abs _section_cstart, $3  }
0xc5: {  	[dreg:$0x1] =	wrdreg $0xFFFFFFFF  }
0xc6: {  	_ =	task.clear_ibuf [dreg:s9], $0x2FFFF;
	_ =	strace $0x9FFFFFFF  }
0xc7: {  	(tm) =	ssettm $0x7FFFFFFF  }
tec
execute0_lowered:
.L_overlay_start_1:
0x0: {  	(tag) =	ssettag $0x1  }
0x1: {  	s0 =	srdreg.scid  }
0x2: {  	s18 =	stileid.u32;
	s5 =	rddreg [dreg:$0x1]  }
0x3: {  	s1 =	rddreg [dreg:$0x3];
	s2 =	simm.s32 $0x0;
	s4 =	sand.u32 $0x1, s0  }
0x4: {  	s15 =	sshll.u32 s18, $0x1;
	[smem:$0x7FF] =	sst s2;
	s8 =	smul.u32 $0x14000, s18  }
0x5: {  	s6 =	sor.u32 s4, s15;
	s7 =	ssub.s32 $0x2, s4;
	s12 =	smul.u32 $0x140000, s4  }
0x6: {  	s4 =	sshll.u32 s4, $0xF;
	s0 =	smul.u32 $0xA000, s6;
	s3 =	sshll.u32 s6, $0x6  }
0x7: {  	s16 =	sshrl.u32 s7, $0x1;
	s10 =	sadd.s32 $0x5000, s8;
	s11 =	sadd.s32 $0x7800, s8  }
0x8: {  	s14 =	sadd.s32 $0xA000, s8;
	s19 =	sadd.s32 $0xC800, s8;
	s6 =	sshll.u32 s6, $0xC  }
0x9: {  	s20 =	sadd.s32 $0xF000, s8;
	s21 =	sadd.s32 $0x11800, s8;
	s9 =	sadd.s32 s3, s5  }
0xa: {  	s22 =	sadd.s32 s1, s6;
	s17 =	sadd.s32 s8, s12;
	s13 =	sadd.s32 s12, s10  }
0xb: {  	s26 =	sadd.s32 s12, s11;
	s29 =	sadd.s32 s12, s14;
	s30 =	sadd.s32 s12, s19  }
0xc: {  	s15 =	sadd.s32 s12, s20;
	s0 =	sshrl.u32 s0, $0x3;
	s6 =	sshrl.u32 s17, $0x3  }
0xd: {  	s13 =	sshrl.u32 s13, $0x3;
	s3 =	sadd.s32 s0, s5;
	s5 =	sadd.s32 $0x29600, s5  }
0xe: {  	s0 =	ssub.s32 s7, s16;
	s7 =	sor.u32 $0x2800, s8;
	s16 =	sshll.u32 s18, $0x10  }
0xf: {  	s23 =	sadd.s32 s12, s7;
	s6 =	sadd.s32 s5, s6;
	s25 =	sadd.s32 s5, s13  }
0x10: {  	s13 =	sshrl.u32 s30, $0x3;
	s12 =	sadd.s32 s12, s21;
	s4 =	sor.u32 s4, s16  }
0x11: {  	s30 =	smul.u32 $0x50000, s18;
	s0 =	smax.u32 s0, $0x1;
	[dreg:$0x7] =	wrdreg s6  }
0x12: {  	s8 =	sshrl.u32 s23, $0x3;
	[dreg:$0x9] =	wrdreg s25;
	s6 =	sshrl.u32 s26, $0x3  }
0x13: {  	s13 =	sadd.s32 s5, s13;
	s17 =	sshrl.u32 s12, $0x3;
	s26 =	sor.u32 $0x500, s4  }
0x14: {  	s24 =	sadd.s32 s5, s8;
	s8 =	sshrl.u32 s29, $0x3;
	[dreg:$0xc] =	wrdreg s13  }
0x15: {  	s6 =	sadd.s32 s5, s6;
	s29 =	sshrl.u32 s26, $0x3;
	[dreg:$0x8] =	wrdreg s24  }
0x16: {  	[dreg:$0xa] =	wrdreg s6;
	s8 =	sadd.s32 s5, s8;
	s6 =	sshrl.u32 s15, $0x3  }
0x17: {  	s24 =	sor.u32 $0x600, s4;
	s15 =	rddreg [dreg:$0x2];
	s16 =	sadd.s32 s29, s1  }
0x18: {  	s29 =	sadd.s32 $0x40, s22;
	[dreg:$0xb] =	wrdreg s8;
	s6 =	sadd.s32 s5, s6  }
0x19: {  	s8 =	sor.u32 $0x700, s4;
	s5 =	sadd.s32 s5, s17;
	s17 =	rddreg [dreg:$0x4]  }
0x1a: {  	s25 =	sshrl.u32 s24, $0x3;
	s4 =	sor.u32 $0x400, s4;
	[dreg:$0xd] =	wrdreg s6  }
0x1b: {  	[dreg:$0xe] =	wrdreg s5;
	s23 =	sshrl.u32 s8, $0x3;
	s13 =	sadd.s32 s25, s1  }
0x1c: {  	s4 =	sshrl.u32 s4, $0x3;
	s5 =	sshrl.u32 s30, $0x2;
	s6 =	sadd.s32 $0x1600, s3  }
0x1d: {  	s8 =	sadd.s32 $0x1B00, s3;
	_ =	strace $0x80000047;
	[dreg:$0x10] =	wrdreg s6  }
0x1e: {  	s28 =	sadd.s32 s7, s17;
	s10 =	sadd.s32 s10, s17;
	[dreg:$0x11] =	wrdreg s8  }
0x1f: {  	s11 =	sadd.s32 s11, s17;
	s24 =	sadd.s32 s19, s17;
	[dreg:$0x14] =	wrdreg s10  }
0x20: {  	s31 =	sadd.s32 s20, s17;
	s25 =	sadd.s32 $0x20, s22;
	[dreg:$0x15] =	wrdreg s11  }
0x21: {  	s30 =	sadd.s32 $0x60, s22;
	s7 =	simm.s32 $0x4;
	[dreg:$0x17] =	wrdreg s24  }
0x22: {  	s19 =	simm.s32 $0x200;
	s20 =	simm.s32 $0x300;
	[dreg:$0x18] =	wrdreg s0  }
0x23: {  	s12 =	sadd.s32 s23, s1;
	s18 =	sadd.s32 s4, s1;
	[dreg:$0x19] =	wrdreg s25  }
0x24: {  	s4 =	sadd.s32 $0xE00, s9;
	s9 =	sadd.s32 $0x2000, s3;
	[dreg:$0x1a] =	wrdreg s29  }
0x25: {  	s3 =	sadd.s32 $0x2500, s3;
	s26 =	sadd.s32 s5, s17;
	[dreg:$0x6] =	wrdreg s22  }
0x26: {  	s23 =	sadd.s32 s14, s17;
	s14 =	sadd.s32 s21, s17;
	[dreg:$0x1b] =	wrdreg s30  }
0x27: {  	s8 =	simm.s32 $0x50;
	s10 =	simm.s32 $0x1;
	s11 =	simm.s32 $0x2E00  }
.Ltmp0:
0x28: {  	s21 =	simm.s32 $0x400;
	[dreg:$0xf] =	wrdreg s4;
	(pc) =	sbr.rel .LBB2_1-.Ltmp0, $4  }
0x29: {  	s22 =	simm.s32 $0x500;
	s0 =	simm.s32 $0x3;
	[dreg:$0x12] =	wrdreg s9  }
0x2a: {  	s5 =	simm.s32 $0x480;
	s6 =	simm.s32 $0x580;
	[dreg:$0x13] =	wrdreg s3  }
0x2b: {  	s1 =	simm.s32 $0x0;
	[dreg:$0x16] =	wrdreg s23;
	s9 =	simm.s32 $0x600  }
0x2c: {  	v0 =	vimm.f32 $0.0e+00;
	s3 =	simm.s32 $0x2;
	s23 =	simm.s32 $0x280;
	s4 =	simm.s32 $0x380  }
.LBB2_6:
0x2d: {  	_ =	swait.ge [sflag:s3], $0x2800  }
0x2e: {  	[sflag:s3] =	ssyncset.done $0x0  }
0x2f: {  	[sflag:s3] =	ssyncadd.s32 $0xFFFFD800  }
0x30: {  	[spmem:s17] =	stream.indirect.scatter.add.f32 [tilespmem:s11], [sflag:$0x4], $0x80, s6, s8, $0xb8;
	[tilespmem:$0x19600] =	vst v63  }
0x31: {  	_ =	swait.ge [sflag:s7], $0x2800  }
0x32: {  	[sflag:s7] =	ssyncset.done $0x0  }
0x33: {  	[sflag:s7] =	ssyncadd.s32 $0xFFFFD800  }
0x34: {  	[bflag:$0x0] =	sbarrier.arrive $0xFFFF  }
0x35: {  	[tilespmem:s9], [sflag:$0x4] =	stream.linear.gather [spmem:s29], $0x2800, $0x38;
	[tilespmem:$0x19600] =	vst v63  }
0x36: {  	_ =	swait.ge [sflag:s7], $0x2800  }
0x37: {  	[sflag:s7] =	ssyncset.done $0x0  }
0x38: {  	s24 =	rddreg [dreg:$0x7];
	[sflag:s7] =	ssyncadd.s32 $0xFFFFD800  }
0x39: {  	[hbm4b:s24+s2] =	stream.linear.scatter [tilespmem:s9], [sflag:$0x4], $0x2800, $0x38;
	[tilespmem:$0x19600] =	vst v63  }
0x3a: {  	_ =	swait.ge [sflag:s7], $0x2800  }
0x3b: {  	[sflag:s7] =	ssyncset.done $0x0  }
0x3c: {  	[sflag:s7] =	ssyncadd.s32 $0xFFFFD800  }
0x3d: {  	[tilespmem:s9], [sflag:$0x4] =	stream.linear.gather [spmem:s30], $0x2800, $0x38;
	[tilespmem:$0x19600] =	vst v63  }
0x3e: {  	_ =	swait.ge [sflag:s7], $0x2800  }
0x3f: {  	[sflag:s7] =	ssyncset.done $0x0  }
0x40: {  	s25 =	rddreg [dreg:$0x8];
	[sflag:s7] =	ssyncadd.s32 $0xFFFFD800  }
0x41: {  	[hbm4b:s25+s2] =	stream.linear.scatter [tilespmem:s9], [sflag:$0x4], $0x2800, $0x38;
	[tilespmem:$0x19600] =	vst v63  }
0x42: {  	_ =	swait.ge [sflag:s7], $0x2800  }
0x43: {  	[sflag:s7] =	ssyncset.done $0x0  }
0x44: {  	s26 =	smov.u32 s29;
	s29 =	rddreg [dreg:$0x14];
	[sflag:s7] =	ssyncadd.s32 $0xFFFFD800  }
0x45: {  	[tilespmem:s9], [sflag:$0x4] =	stream.linear.gather [spmem:s29], $0x2800, $0x38;
	[tilespmem:$0x19600] =	vst v63  }
0x46: {  	_ =	swait.ge [sflag:s7], $0x2800  }
0x47: {  	[sflag:s7] =	ssyncset.done $0x0  }
0x48: {  	s28 =	smov.u32 s30;
	s30 =	rddreg [dreg:$0x9];
	[sflag:s7] =	ssyncadd.s32 $0xFFFFD800  }
0x49: {  	[hbm4b:s30+s2] =	stream.linear.scatter [tilespmem:s9], [sflag:$0x4], $0x2800, $0x38;
	[tilespmem:$0x19600] =	vst v63  }
0x4a: {  	_ =	swait.ge [sflag:s7], $0x2800  }
0x4b: {  	[sflag:s7] =	ssyncset.done $0x0  }
0x4c: {  	s25 =	rddreg [dreg:$0x15];
	[sflag:s7] =	ssyncadd.s32 $0xFFFFD800  }
0x4d: {  	[tilespmem:s9], [sflag:$0x4] =	stream.linear.gather [spmem:s25], $0x2800, $0x38;
	[tilespmem:$0x19600] =	vst v63  }
0x4e: {  	_ =	swait.ge [sflag:s7], $0x2800  }
0x4f: {  	[sflag:s7] =	ssyncset.done $0x0  }
0x50: {  	s29 =	rddreg [dreg:$0xa];
	[sflag:s7] =	ssyncadd.s32 $0xFFFFD800  }
0x51: {  	[hbm4b:s29+s2] =	stream.linear.scatter [tilespmem:s9], [sflag:$0x4], $0x2800, $0x38;
	[tilespmem:$0x19600] =	vst v63  }
0x52: {  	_ =	swait.ge [sflag:s7], $0x2800  }
0x53: {  	[sflag:s7] =	ssyncset.done $0x0  }
0x54: {  	s30 =	rddreg [dreg:$0x16];
	[sflag:s7] =	ssyncadd.s32 $0xFFFFD800  }
0x55: {  	[tilespmem:s9], [sflag:$0x4] =	stream.linear.gather [spmem:s30], $0x2800, $0x38;
	[tilespmem:$0x19600] =	vst v63  }
0x56: {  	_ =	swait.ge [sflag:s7], $0x2800  }
0x57: {  	[sflag:s7] =	ssyncset.done $0x0  }
0x58: {  	s25 =	rddreg [dreg:$0xb];
	[sflag:s7] =	ssyncadd.s32 $0xFFFFD800  }
0x59: {  	[hbm4b:s25+s2] =	stream.linear.scatter [tilespmem:s9], [sflag:$0x4], $0x2800, $0x38;
	[tilespmem:$0x19600] =	vst v63  }
0x5a: {  	_ =	swait.ge [sflag:s7], $0x2800  }
0x5b: {  	[sflag:s7] =	ssyncset.done $0x0  }
0x5c: {  	s29 =	rddreg [dreg:$0x17];
	[sflag:s7] =	ssyncadd.s32 $0xFFFFD800  }
0x5d: {  	[tilespmem:s9], [sflag:$0x4] =	stream.linear.gather [spmem:s29], $0x2800, $0x38;
	[tilespmem:$0x19600] =	vst v63  }
0x5e: {  	_ =	swait.ge [sflag:s7], $0x2800  }
0x5f: {  	[sflag:s7] =	ssyncset.done $0x0  }
0x60: {  	s30 =	rddreg [dreg:$0xc];
	[sflag:s7] =	ssyncadd.s32 $0xFFFFD800  }
0x61: {  	[hbm4b:s30+s2] =	stream.linear.scatter [tilespmem:s9], [sflag:$0x4], $0x2800, $0x38;
	[tilespmem:$0x19600] =	vst v63  }
0x62: {  	_ =	swait.ge [sflag:s7], $0x2800  }
0x63: {  	[sflag:s7] =	ssyncset.done $0x0  }
0x64: {  	[sflag:s7] =	ssyncadd.s32 $0xFFFFD800  }
0x65: {  	[tilespmem:s9], [sflag:$0x4] =	stream.linear.gather [spmem:s31], $0x2800, $0x38;
	[tilespmem:$0x19600] =	vst v63  }
0x66: {  	_ =	swait.ge [sflag:s7], $0x2800  }
0x67: {  	[sflag:s7] =	ssyncset.done $0x0  }
0x68: {  	s25 =	rddreg [dreg:$0xd];
	[sflag:s7] =	ssyncadd.s32 $0xFFFFD800  }
0x69: {  	[hbm4b:s25+s2] =	stream.linear.scatter [tilespmem:s9], [sflag:$0x4], $0x2800, $0x38;
	[tilespmem:$0x19600] =	vst v63  }
0x6a: {  	_ =	swait.ge [sflag:s7], $0x2800  }
0x6b: {  	[sflag:s7] =	ssyncset.done $0x0  }
0x6c: {  	[sflag:s7] =	ssyncadd.s32 $0xFFFFD800  }
0x6d: {  	[tilespmem:s9], [sflag:$0x4] =	stream.linear.gather [spmem:s14], $0x2800, $0x38;
	[tilespmem:$0x19600] =	vst v63  }
0x6e: {  	_ =	swait.ge [sflag:s7], $0x2800  }
0x6f: {  	[sflag:s7] =	ssyncset.done $0x0  }
0x70: {  	s29 =	rddreg [dreg:$0xe];
	[sflag:s7] =	ssyncadd.s32 $0xFFFFD800  }
0x71: {  	[hbm4b:s29+s2] =	stream.linear.scatter [tilespmem:s9], [sflag:$0x4], $0x2800, $0x38;
	[tilespmem:$0x19600] =	vst v63  }
0x72: {  	_ =	swait.ge [sflag:s7], $0x2800  }
0x73: {  	s1 =	sadd.s32 $0x1, s1;
	s30 =	rddreg [dreg:$0x18]  }
0x74: {  	p0 =	sne.s32 s1, s30  }
.Ltmp1:
0x75: {  	_ = 	snop;
	(pc) =	sbr.rel @!p0 .LBB2_7-.Ltmp1, $3  }
0x76: {  	_ =	sdelay $0x1  }
0x77: {  	[sflag:s7] =	ssyncset.done $0x0  }
0x78: {  	[sflag:s7] =	ssyncadd.s32 $0xFFFFD800  }
.LBB2_1:
0x79: {  	s24 =	rddreg [dreg:$0xf]  }
0x7a: {  	[tilespmem:s2], [sflag:$0x4] =	stream.linear.gather [hbm4b:s24+s2], $0x200, $0x38;
	[tilespmem:$0x19600] =	vst v63  }
0x7b: {  	_ =	swait.ge [sflag:s7], $0x200  }
0x7c: {  	[sflag:s7] =	ssyncset.done $0x0  }
0x7d: {  	[sflag:s7] =	ssyncadd.s32 $0xFFFFFE00  }
0x7e: {  	s24 =	rddreg [dreg:$0x0]  }
0x7f: {  	[tilespmem:s9], [sflag:$0x1] =	stream.indirect.gather [hbm4b:s24+s8], $0x80, s2, s8, $0xb8;
	[tilespmem:$0x19600] =	vst v63  }
0x80: {  	_ =	swait.ge [sflag:s10], $0x2800  }
0x81: {  	[sflag:s10] =	ssyncset.done $0x0  }
0x82: {  	s25 =	rddreg [dreg:$0x10];
	[sflag:s10] =	ssyncadd.s32 $0xFFFFD800  }
0x83: {  	[hbm4b:s25+s2] =	stream.linear.scatter [tilespmem:s9], [sflag:$0x4], $0x2800, $0x38;
	[tilespmem:$0x19600] =	vst v63  }
0x84: {  	_ =	swait.ge [sflag:s7], $0x2800  }
0x85: {  	[sflag:s7] =	ssyncset.done $0x0  }
0x86: {  	s29 =	simm.s32 $0x100;
	[sflag:s7] =	ssyncadd.s32 $0xFFFFD800  }
0x87: {  	[tilespmem:s9], [sflag:$0x1] =	stream.indirect.gather [hbm4b:s24+s8], $0x80, s29, s8, $0xb8;
	[tilespmem:$0x19600] =	vst v63  }
0x88: {  	s30 =	simm.s32 $0x80  }
0x89: {  	[tilespmem:s11], [sflag:$0x2] =	stream.indirect.gather [hbm4b:s24+s8], $0x80, s30, s8, $0xb8;
	[tilespmem:$0x19600] =	vst v63  }
0x8a: {  	_ =	swait.ge [sflag:s3], $0x2800  }
0x8b: {  	[sflag:s3] =	ssyncset.done $0x0  }
0x8c: {  	s29 =	rddreg [dreg:$0x11];
	[sflag:s3] =	ssyncadd.s32 $0xFFFFD800  }
0x8d: {  	[hbm4b:s29+s2] =	stream.linear.scatter [tilespmem:s11], [sflag:$0x4], $0x2800, $0x38;
	[tilespmem:$0x19600] =	vst v63  }
0x8e: {  	_ =	swait.ge [sflag:s7], $0x2800  }
0x8f: {  	[sflag:s7] =	ssyncset.done $0x0  }
0x90: {  	s30 =	simm.s32 $0x180;
	[sflag:s7] =	ssyncadd.s32 $0xFFFFD800  }
0x91: {  	[tilespmem:s11], [sflag:$0x2] =	stream.indirect.gather [hbm4b:s24+s8], $0x80, s30, s8, $0xb8;
	[tilespmem:$0x19600] =	vst v63  }
0x92: {  	_ =	swait.ge [sflag:s10], $0x2800  }
0x93: {  	[sflag:s10] =	ssyncset.done $0x0  }
0x94: {  	s29 =	rddreg [dreg:$0x12];
	[sflag:s10] =	ssyncadd.s32 $0xFFFFD800  }
0x95: {  	[hbm4b:s29+s2] =	stream.linear.scatter [tilespmem:s9], [sflag:$0x4], $0x2800, $0x38;
	[tilespmem:$0x19600] =	vst v63  }
0x96: {  	_ =	swait.ge [sflag:s7], $0x2800  }
0x97: {  	[sflag:s7] =	ssyncset.done $0x0  }
0x98: {  	[sflag:s7] =	ssyncadd.s32 $0xFFFFD800  }
0x99: {  	_ =	swait.ge [sflag:s3], $0x2800  }
0x9a: {  	[sflag:s3] =	ssyncset.done $0x0  }
0x9b: {  	s30 =	rddreg [dreg:$0x13];
	[sflag:s3] =	ssyncadd.s32 $0xFFFFD800  }
0x9c: {  	[hbm4b:s30+s2] =	stream.linear.scatter [tilespmem:s11], [sflag:$0x4], $0x2800, $0x38;
	[tilespmem:$0x19600] =	vst v63  }
0x9d: {  	_ =	swait.ge [sflag:s7], $0x2800  }
0x9e: {  	[sflag:s7] =	ssyncset.done $0x0  }
0x9f: {  	s25 =	simm.s32 $0x200;
	s24 =	simm.s32 $0x0;
	[sflag:s7] =	ssyncadd.s32 $0xFFFFD800  }
.LBB2_2:
0xa0: {  	p0 =	sne.s32 s25, $0x9E00;
	[tilespmem:s24+$0x670] =	vst v0  }
0xa1: {  	[tilespmem:s24+$0x600] =	vst v0  }
0xa2: {  	[tilespmem:s24+$0x610] =	vst v0  }
.Ltmp2:
0xa3: {  	[tilespmem:s24+$0x620] =	vst v0;
	(pc) =	sbr.rel @p0 .LBB2_2-.Ltmp2, $4  }
0xa4: {  	[tilespmem:s24+$0x630] =	vst v0  }
0xa5: {  	[tilespmem:s24+$0x640] =	vst v0  }
0xa6: {  	[tilespmem:s24+$0x650] =	vst v0  }
0xa7: {  	[tilespmem:s24+$0x660] =	vst v0;
	s24 =	sshra.s32 s25, $0x2;
	s25 =	sadd.s32 $0x200, s25  }
0xa8: {  	[tilespmem:s24+$0x670] =	vst v0  }
0xa9: {  	[tilespmem:s24+$0x600] =	vst v0  }
0xaa: {  	[tilespmem:s24+$0x610] =	vst v0  }
0xab: {  	[tilespmem:s24+$0x620] =	vst v0  }
0xac: {  	[tilespmem:s24+$0x630] =	vst v0  }
0xad: {  	[tilespmem:s24+$0x640] =	vst v0  }
0xae: {  	[tilespmem:s24+$0x650] =	vst v0  }
0xaf: {  	[tilespmem:s24+$0x660] =	vst v0  }
0xb0: {  	[spmem:s26] =	stream.linear.scatter [tilespmem:s9], [sflag:$0x4], $0x2800, $0x38;
	[tilespmem:$0x19600] =	vst v63  }
0xb1: {  	_ =	swait.ge [sflag:s7], $0x2800  }
0xb2: {  	[sflag:s7] =	ssyncset.done $0x0  }
0xb3: {  	[sflag:s7] =	ssyncadd.s32 $0xFFFFD800  }
0xb4: {  	[spmem:s28] =	stream.linear.scatter [tilespmem:s9], [sflag:$0x4], $0x2800, $0x38;
	[tilespmem:$0x19600] =	vst v63  }
0xb5: {  	_ =	swait.ge [sflag:s7], $0x2800  }
0xb6: {  	[sflag:s7] =	ssyncset.done $0x0  }
0xb7: {  	s29 =	smov.u32 s26;
	s26 =	rddreg [dreg:$0x14];
	[sflag:s7] =	ssyncadd.s32 $0xFFFFD800  }
0xb8: {  	[spmem:s26] =	stream.linear.scatter [tilespmem:s9], [sflag:$0x4], $0x2800, $0x38;
	[tilespmem:$0x19600] =	vst v63  }
0xb9: {  	_ =	swait.ge [sflag:s7], $0x2800  }
0xba: {  	[sflag:s7] =	ssyncset.done $0x0  }
0xbb: {  	s30 =	smov.u32 s28;
	s28 =	rddreg [dreg:$0x15];
	[sflag:s7] =	ssyncadd.s32 $0xFFFFD800  }
0xbc: {  	[spmem:s28] =	stream.linear.scatter [tilespmem:s9], [sflag:$0x4], $0x2800, $0x38;
	[tilespmem:$0x19600] =	vst v63  }
0xbd: {  	_ =	swait.ge [sflag:s7], $0x2800  }
0xbe: {  	[sflag:s7] =	ssyncset.done $0x0  }
0xbf: {  	s25 =	rddreg [dreg:$0x16];
	[sflag:s7] =	ssyncadd.s32 $0xFFFFD800  }
0xc0: {  	[spmem:s25] =	stream.linear.scatter [tilespmem:s9], [sflag:$0x4], $0x2800, $0x38;
	[tilespmem:$0x19600] =	vst v63  }
0xc1: {  	_ =	swait.ge [sflag:s7], $0x2800  }
0xc2: {  	[sflag:s7] =	ssyncset.done $0x0  }
0xc3: {  	s26 =	rddreg [dreg:$0x17];
	[sflag:s7] =	ssyncadd.s32 $0xFFFFD800  }
0xc4: {  	[spmem:s26] =	stream.linear.scatter [tilespmem:s9], [sflag:$0x4], $0x2800, $0x38;
	[tilespmem:$0x19600] =	vst v63  }
0xc5: {  	_ =	swait.ge [sflag:s7], $0x2800  }
0xc6: {  	[sflag:s7] =	ssyncset.done $0x0  }
0xc7: {  	[sflag:s7] =	ssyncadd.s32 $0xFFFFD800  }
0xc8: {  	[spmem:s31] =	stream.linear.scatter [tilespmem:s9], [sflag:$0x4], $0x2800, $0x38;
	[tilespmem:$0x19600] =	vst v63  }
0xc9: {  	_ =	swait.ge [sflag:s7], $0x2800  }
0xca: {  	[sflag:s7] =	ssyncset.done $0x0  }
0xcb: {  	[sflag:s7] =	ssyncadd.s32 $0xFFFFD800  }
0xcc: {  	[spmem:s14] =	stream.linear.scatter [tilespmem:s9], [sflag:$0x4], $0x2800, $0x38;
	[tilespmem:$0x19600] =	vst v63  }
0xcd: {  	_ =	swait.ge [sflag:s7], $0x2800  }
0xce: {  	[sflag:s7] =	ssyncset.done $0x0  }
0xcf: {  	s24 =	simm.s32 $0x0;
	s25 =	rddreg [dreg:$0x6];
	[sflag:s7] =	ssyncadd.s32 $0xFFFFD800  }
0xd0: {  	[tilespmem:s19], [sflag:$0x4] =	stream.linear.gather [hbm4b:s25+s24], $0x100, $0x38;
	[tilespmem:$0x19600] =	vst v63  }
0xd1: {  	_ =	swait.ge [sflag:s7], $0x100  }
0xd2: {  	[sflag:s7] =	ssyncset.done $0x0  }
0xd3: {  	s28 =	rddreg [dreg:$0x19];
	[sflag:s7] =	ssyncadd.s32 $0xFFFFFF00  }
0xd4: {  	[tilespmem:s20], [sflag:$0x4] =	stream.linear.gather [hbm4b:s28+s24], $0x100, $0x38;
	[tilespmem:$0x19600] =	vst v63  }
0xd5: {  	_ =	swait.ge [sflag:s7], $0x100  }
0xd6: {  	[sflag:s7] =	ssyncset.done $0x0  }
0xd7: {  	s26 =	rddreg [dreg:$0x1a];
	[sflag:s7] =	ssyncadd.s32 $0xFFFFFF00  }
0xd8: {  	[tilespmem:s21], [sflag:$0x3] =	stream.linear.gather [hbm4b:s26+s24], $0x100, $0x38;
	[tilespmem:$0x19600] =	vst v63  }
0xd9: {  	s28 =	rddreg [dreg:$0x1b]  }
0xda: {  	[tilespmem:s22], [sflag:$0x3] =	stream.linear.gather [hbm4b:s28+s24], $0x100, $0x38;
	[tilespmem:$0x19600] =	vst v63  }
0xdb: {  	_ = 	snop  }
0xdc: {  	[tilespmem:s9], [sflag:$0x1] =	stream.indirect.gather [hbm4b:s15+s8], $0x80, s19, s8, $0xb8;
	[tilespmem:$0x19600] =	vst v63  }
0xdd: {  	_ = 	snop  }
0xde: {  	[tilespmem:s11], [sflag:$0x2] =	stream.indirect.gather [hbm4b:s15+s8], $0x80, s20, s8, $0xb8;
	[tilespmem:$0x19600] =	vst v63  }
0xdf: {  	[bflag:$0x0] =	sbarrier.arrive $0xFFFF  }
.LBB2_4:
0xe0: {  	_ =	swait.ge [sflag:s10], $0x2800  }
0xe1: {  	[sflag:s10] =	ssyncset.done $0x0  }
0xe2: {  	[sflag:s10] =	ssyncadd.s32 $0xFFFFD800  }
0xe3: {  	[spmem:s17] =	stream.indirect.scatter.add.f32 [tilespmem:s9], [sflag:$0x4], $0x80, s23, s8, $0xb8;
	[tilespmem:$0x19600] =	vst v63  }
0xe4: {  	p0 =	seq.s32 s24, $0xF80;
	_ =	swait.ge [sflag:s7], $0x2800  }
0xe5: {  	s25 =	sadd.s32 @!p0 s24, s18;
	[sflag:s7] =	ssyncset.done $0x0  }
0xe6: {  	s26 =	simm.s32 @!p0 $0x0;
	s28 =	simm.s32 @!p0 $0x200;
	[sflag:s7] =	ssyncadd.s32 $0xFFFFD800  }
0xe7: {  	[tilespmem:s28], [sflag:$0x3] =	stream.linear.gather @!p0 [hbm4b:s25+s26], $0x100, $0x38;
	[tilespmem:$0x19600] =	vst v63  }
0xe8: {  	_ =	swait.ge [sflag:s0], $0x100  }
0xe9: {  	[sflag:s0] =	ssyncset.done $0x0  }
0xea: {  	[sflag:s0] =	ssyncadd.s32 $0xFFFFFF00  }
0xeb: {  	[tilespmem:s9], [sflag:$0x1] =	stream.indirect.gather [hbm4b:s15+s8], $0x80, s21, s8, $0xb8;
	[tilespmem:$0x19600] =	vst v63  }
0xec: {  	_ =	swait.ge [sflag:s3], $0x2800  }
0xed: {  	[sflag:s3] =	ssyncset.done $0x0  }
0xee: {  	[sflag:s3] =	ssyncadd.s32 $0xFFFFD800  }
0xef: {  	[spmem:s17] =	stream.indirect.scatter.add.f32 [tilespmem:s11], [sflag:$0x4], $0x80, s4, s8, $0xb8;
	[tilespmem:$0x19600] =	vst v63  }
0xf0: {  	_ =	swait.ge [sflag:s7], $0x2800  }
0xf1: {  	[sflag:s7] =	ssyncset.done $0x0  }
0xf2: {  	s25 =	sadd.s32 @!p0 s24, s16;
	s28 =	simm.s32 @!p0 $0x300;
	[sflag:s7] =	ssyncadd.s32 $0xFFFFD800  }
0xf3: {  	[tilespmem:s28], [sflag:$0x3] =	stream.linear.gather @!p0 [hbm4b:s25+s26], $0x100, $0x38;
	[tilespmem:$0x19600] =	vst v63  }
0xf4: {  	_ =	swait.ge [sflag:s0], $0x100  }
0xf5: {  	[sflag:s0] =	ssyncset.done $0x0  }
0xf6: {  	[sflag:s0] =	ssyncadd.s32 $0xFFFFFF00  }
0xf7: {  	[tilespmem:s11], [sflag:$0x2] =	stream.indirect.gather [hbm4b:s15+s8], $0x80, s22, s8, $0xb8;
	[tilespmem:$0x19600] =	vst v63  }
0xf8: {  	_ =	swait.ge [sflag:s10], $0x2800  }
0xf9: {  	[sflag:s10] =	ssyncset.done $0x0  }
.Ltmp3:
0xfa: {  	[sflag:s10] =	ssyncadd.s32 $0xFFFFD800;
	(pc) =	sbr.rel @p0 .LBB2_6-.Ltmp3, $4  }
0xfb: {  	[spmem:s17] =	stream.indirect.scatter.add.f32 [tilespmem:s9], [sflag:$0x4], $0x80, s5, s8, $0xb8;
	[tilespmem:$0x19600] =	vst v63  }
0xfc: {  	_ =	swait.ge [sflag:s7], $0x2800  }
0xfd: {  	[sflag:s7] =	ssyncset.done $0x0  }
0xfe: {  	[sflag:s7] =	ssyncadd.s32 $0xFFFFD800  }
0xff: {  	s25 =	sadd.s32 s24, s13  }
0x100: {  	[tilespmem:s21], [sflag:$0x3] =	stream.linear.gather [hbm4b:s25+s2], $0x100, $0x38;
	[tilespmem:$0x19600] =	vst v63  }
0x101: {  	_ =	swait.ge [sflag:s0], $0x100  }
0x102: {  	[sflag:s0] =	ssyncset.done $0x0  }
0x103: {  	[sflag:s0] =	ssyncadd.s32 $0xFFFFFF00  }
0x104: {  	[tilespmem:s9], [sflag:$0x1] =	stream.indirect.gather [hbm4b:s15+s8], $0x80, s19, s8, $0xb8;
	[tilespmem:$0x19600] =	vst v63  }
0x105: {  	_ =	swait.ge [sflag:s3], $0x2800  }
0x106: {  	[sflag:s3] =	ssyncset.done $0x0  }
0x107: {  	[sflag:s3] =	ssyncadd.s32 $0xFFFFD800  }
0x108: {  	[spmem:s17] =	stream.indirect.scatter.add.f32 [tilespmem:s11], [sflag:$0x4], $0x80, s6, s8, $0xb8;
	[tilespmem:$0x19600] =	vst v63  }
0x109: {  	_ =	swait.ge [sflag:s7], $0x2800  }
0x10a: {  	[sflag:s7] =	ssyncset.done $0x0  }
0x10b: {  	s28 =	sadd.s32 s24, s12;
	[sflag:s7] =	ssyncadd.s32 $0xFFFFD800  }
0x10c: {  	[tilespmem:s22], [sflag:$0x3] =	stream.linear.gather [hbm4b:s28+s2], $0x100, $0x38;
	[tilespmem:$0x19600] =	vst v63  }
.Ltmp4:
0x10d: {  	_ = 	snop;
	(pc) =	sbr.rel .LBB2_4-.Ltmp4, $4  }
0x10e: {  	_ =	swait.ge [sflag:s0], $0x100  }
0x10f: {  	[sflag:s0] =	ssyncset.done $0x0  }
0x110: {  	s24 =	sadd.s32 $0x80, s24;
	[sflag:s0] =	ssyncadd.s32 $0xFFFFFF00  }
0x111: {  	[tilespmem:s11], [sflag:$0x2] =	stream.indirect.gather [hbm4b:s15+s8], $0x80, s20, s8, $0xb8;
	[tilespmem:$0x19600] =	vst v63  }
.LBB2_7:
0x112: {  	_ =	sfence.sel $0x180000  }
0x113: {  	[bflag:$0x0] =	sbarrier.arrive $0xFFFF  }
0x114: {  	_ =	strace $0x90000047  }
0x115: {  	s0 =	stileid.u32;
	[bflag:$0x2] =	sbarrier.arrive $0xFFFF  }
0x116: {  	p0 =	sne.s32 s0, $0x0;
	s0 =	rddreg [dreg:$0x5]  }
0x117: {  	s0 =	sadd.s32 @!p0 $0x100000, s0  }
0x118: {  	[sflag:s0] =	ssyncadd.tile.s32 @!p0 $0x1;
	_ =	shalt  }
.Lfunc_end2:
_tile_overlayer_lowered:
.L_overlay_start_2:
0x119: {  	(tag) =	ssettag $0x2  }
0x11a: {  	s0 =	rddreg [dreg:$0x0];
	s2 =	stileid.u32  }
0x11b: {  	s1 =	rddreg [dreg:$0x1];
	p0 =	sne.s32 s2, $0x0  }
0x11c: {  	s3 =	rddreg [dreg:$0x2];
	[bflag:$0x3] =	sbarrier.arrive $0xFFFF;
	s2 =	simm.s32 @!p0 $0x1C04  }
0x11d: {  	[timem:s3], [sflag:s2] =	dma.local @!p0 [hbm:s0], s1  }
0x11e: {  	s0 =	simm.s32 @!p0 $0x4  }
0x11f: {  	_ =	swait.ge @!p0 [sflag:s0], s1  }
0x120: {  	s1 =	ssub.s32 @!p0 $0x0, s1;
	[sflag:s0] =	ssyncset.done @!p0 $0x0  }
0x121: {  	[sflag:s0] =	ssyncadd.s32 @!p0 s1  }
0x122: {  	[bflag:$0x3] =	sbarrier.arrive $0xFFFF  }
0x123: {  	_ =	shalt  }

</sc_bundles>
